<compile_context>
chip_gen: v7x
topology: tpu7x:2x2x1
jax: 0.10.2.dev20260603
libtpu: 0.0.44.dev20260713+nightly
codegen_flags: <defaults>
</compile_context>

<pallas_src>
import functools

import jax
import jax.numpy as jnp
from jax import lax
from jax.experimental import pallas as pl
from jax.experimental.pallas import tpu as pltpu
from jax.experimental.pallas import tpu_sc as plsc

N = 10000
E = 160000
CH = 128
PADE = 163840
NACC = N + 16
BLK = 2000

_MESH = plsc.VectorSubcoreMesh(core_axis_name="c", subcore_axis_name="s")



def _deg_body(dst_hbm, zeros_hbm, ones_hbm, out_hbm,
              acc, ones_v, dbuf, sa, sb):
    c = lax.axis_index("c")
    s = lax.axis_index("s")
    @pl.when(s < 10)
    def _():
        pltpu.sync_copy(zeros_hbm.at[pl.ds(s * 1024, 1024)],
                        acc.at[pl.ds(s * 1024, 1024)])
    pltpu.sync_copy(ones_hbm, ones_v)
    pltpu.sync_copy(dst_hbm.at[pl.ds(c * 640 + s * 40, 40)], dbuf)
    plsc.subcore_barrier()

    def _sadd(j, sem):
        pltpu.async_copy(ones_v, acc.at[dbuf.at[j]], sem, add=True)

    def _swait(j, sem):
        pltpu.make_async_copy(ones_v, acc.at[dbuf.at[j]], sem).wait()

    _sadd(0, sa)

    def body(k2, carry):
        a = 2 * k2

        @pl.when(k2 > 0)
        def _():
            _swait(a - 1, sb)
        _sadd(a + 1, sb)
        _swait(a, sa)

        @pl.when(k2 < 19)
        def _():
            _sadd(a + 2, sa)
        return carry

    lax.fori_loop(0, 20, body, 0)
    _swait(39, sb)
    plsc.subcore_barrier()

    @pl.when(s < 10)
    def _():
        pltpu.sync_copy(acc.at[pl.ds(s * 1024, 1024)],
                        out_hbm.at[pl.ds(c * 10240 + s * 1024, 1024)])


@functools.partial(
    pl.kernel,
    out_type=jax.ShapeDtypeStruct((20480,), jnp.float32),
    mesh=_MESH,
    scratch_types=[
        pltpu.VMEM_SHARED((10240,), jnp.float32),
        pltpu.VMEM((CH,), jnp.float32),
        pltpu.VMEM((40, CH), jnp.int32),
        pltpu.SemaphoreType.DMA,
        pltpu.SemaphoreType.DMA,
    ],
)
def _deg_sc(dst_hbm, zeros_hbm, ones_hbm, out_hbm, *scratch):
    _deg_body(dst_hbm, zeros_hbm, ones_hbm, out_hbm, *scratch)


def _edge_pipeline(gflat_hbm, acc, sbuf, dbuf, nchunks,
                   ra, rb, gsa, gsb, ssa, ssb):
    def _gstart(rows_ref, sem, j):
        pltpu.async_copy(gflat_hbm.at[sbuf.at[j]], rows_ref, sem)

    def _gwait(rows_ref, sem, j):
        pltpu.make_async_copy(gflat_hbm.at[sbuf.at[j]], rows_ref, sem).wait()

    def _sstart(rows_ref, sem, j):
        pltpu.async_copy(rows_ref, acc.at[dbuf.at[j]], sem, add=True)

    def _swait(rows_ref, sem, j):
        pltpu.make_async_copy(rows_ref, acc.at[dbuf.at[j]], sem).wait()

    _gstart(ra, gsa, 0)

    def body(k2, carry):
        a = 2 * k2

        @pl.when(k2 > 0)
        def _():
            _swait(rb, ssb, a - 1)
        _gstart(rb, gsb, a + 1)
        _gwait(ra, gsa, a)
        _sstart(ra, ssa, a)
        _gwait(rb, gsb, a + 1)
        _swait(ra, ssa, a)

        @pl.when(k2 < nchunks // 2 - 1)
        def _():
            _gstart(ra, gsa, a + 2)
        _sstart(rb, ssb, a + 1)
        return carry

    lax.fori_loop(0, nchunks // 2, body, 0)
    _swait(rb, ssb, nchunks - 1)


def _agg_edge_body(gflat_hbm, srcflat_hbm, dst_hbm, out_hbm,
                   acc, sbuf, dbuf, *bufs):
    c = lax.axis_index("c")
    s = lax.axis_index("s")

    @pl.when(s < 5)
    def _():
        pltpu.sync_copy(gflat_hbm.at[pl.ds(s * 2000, 2000)],
                        acc.at[pl.ds(s * 2000, 2000)])
    base = c * 640 + s * 40
    pltpu.sync_copy(srcflat_hbm.at[pl.ds(base, 40)], sbuf)
    pltpu.sync_copy(dst_hbm.at[pl.ds(base, 40)], dbuf)
    plsc.subcore_barrier()

    _edge_pipeline(gflat_hbm, acc, sbuf, dbuf, 40, *bufs)
    plsc.subcore_barrier()

    @pl.when(s < 5)
    def _():
        pltpu.sync_copy(acc.at[pl.ds(s * 2000, 2000)],
                        out_hbm.at[c, pl.ds(s * 2000, 2000)])


def _agg_scratch(row_shape, dtype):
    return [
        pltpu.VMEM_SHARED((NACC,) + row_shape, dtype),
        pltpu.VMEM((40, CH), jnp.int32),
        pltpu.VMEM((40, CH), jnp.int32),
        pltpu.VMEM((CH,) + row_shape, dtype),
        pltpu.VMEM((CH,) + row_shape, dtype),
        pltpu.SemaphoreType.DMA,
        pltpu.SemaphoreType.DMA,
        pltpu.SemaphoreType.DMA,
        pltpu.SemaphoreType.DMA,
    ]


_agg_bf16 = functools.partial(
    pl.kernel,
    out_type=jax.ShapeDtypeStruct((2, N, 256), jnp.bfloat16),
    mesh=_MESH,
    scratch_types=_agg_scratch((256,), jnp.bfloat16),
    compiler_params=pltpu.CompilerParams(use_tc_tiling_on_sc=False,
                                         skip_device_barrier=True),
)(_agg_edge_body)

_agg_f32 = functools.partial(
    pl.kernel,
    out_type=jax.ShapeDtypeStruct((2, N, 128), jnp.float32),
    mesh=_MESH,
    scratch_types=_agg_scratch((128,), jnp.float32),
    compiler_params=pltpu.CompilerParams(skip_device_barrier=True),
)(_agg_edge_body)



def _leaky(z):
    return jnp.where(z >= 0, z, z * 0.01)


def _dinv(degp_ref):
    return lax.rsqrt(degp_ref[:, 0:1] + degp_ref[:, 1:2] + 1.0)


def _first_body(x_ref, w_ref, degp_ref, o_ref):
    t = jnp.dot(x_ref[...], w_ref[...], preferred_element_type=jnp.float32)
    o_ref[...] = (_dinv(degp_ref) * t).astype(o_ref.dtype)


def _first_tc(x, W, degp):
    d = W.shape[1]
    return pl.pallas_call(
        _first_body,
        grid=(N // BLK,),
        in_specs=[pl.BlockSpec((BLK, x.shape[1]), lambda i: (i, 0)),
                  pl.BlockSpec(W.shape, lambda i: (0, 0)),
                  pl.BlockSpec((BLK, 2), lambda i: (i, 0))],
        out_specs=pl.BlockSpec((BLK, d), lambda i: (i, 0)),
        out_shape=jax.ShapeDtypeStruct((N, d), jnp.bfloat16),
    )(x, W, degp)


def _mid_body(p_ref, g_ref, w_ref, degp_ref, b_ref, o_ref):
    dinv = _dinv(degp_ref)
    sagg = (p_ref[0].astype(jnp.float32) + p_ref[1].astype(jnp.float32)
            - g_ref[...].astype(jnp.float32))
    h = _leaky(dinv * sagg + b_ref[...])
    t = jnp.dot(h, w_ref[...], preferred_element_type=jnp.float32)
    o_ref[...] = (dinv * t).astype(o_ref.dtype)


def _mid_tc(p, g, W, degp, b, out_dtype):
    d = W.shape[1]
    dp = g.shape[1]
    return pl.pallas_call(
        _mid_body,
        grid=(N // BLK,),
        in_specs=[pl.BlockSpec((2, BLK, dp), lambda i: (0, i, 0)),
                  pl.BlockSpec((BLK, dp), lambda i: (i, 0)),
                  pl.BlockSpec(W.shape, lambda i: (0, 0)),
                  pl.BlockSpec((BLK, 2), lambda i: (i, 0)),
                  pl.BlockSpec((1, dp), lambda i: (0, 0))],
        out_specs=pl.BlockSpec((BLK, d), lambda i: (i, 0)),
        out_shape=jax.ShapeDtypeStruct((N, d), out_dtype),
    )(p, g, W, degp, b)


def _last_body(p_ref, g_ref, degp_ref, b_ref, o_ref):
    sagg = p_ref[0] + p_ref[1] - g_ref[...]
    o_ref[...] = _leaky(_dinv(degp_ref) * sagg + b_ref[...])


def _last_tc(p, g, degp, b):
    d = g.shape[1]
    return pl.pallas_call(
        _last_body,
        grid=(N // BLK,),
        in_specs=[pl.BlockSpec((2, BLK, d), lambda i: (0, i, 0)),
                  pl.BlockSpec((BLK, d), lambda i: (i, 0)),
                  pl.BlockSpec((BLK, 2), lambda i: (i, 0)),
                  pl.BlockSpec((1, d), lambda i: (0, 0))],
        out_specs=pl.BlockSpec((BLK, d), lambda i: (i, 0)),
        out_shape=jax.ShapeDtypeStruct((N, d), jnp.float32),
    )(p, g, degp, b)



def kernel(x, edge_index, W1, b1, W2, b2, W3, b3):
    src = edge_index[0]
    dst = edge_index[1]
    pad = PADE - E
    ar = jnp.arange(pad, dtype=jnp.int32)
    srcflat = jnp.concatenate([src, ar % 64]).reshape(1280, CH)
    dstp = jnp.concatenate([dst, N + (ar % 16)]).reshape(1280, CH)

    degp = _deg_sc(dstp, jnp.zeros((10240,), jnp.float32),
                   jnp.ones((CH,), jnp.float32))
    degp = degp.reshape(2, 10240)[:, :N].T

    g = _first_tc(x, W1, degp)
    p = _agg_bf16(g, srcflat, dstp)
    g = _mid_tc(p, g, W2, degp,
                b1.reshape(1, -1), jnp.bfloat16)
    p = _agg_bf16(g, srcflat, dstp)
    g = _mid_tc(p, g, W3, degp,
                b2.reshape(1, -1), jnp.float32)
    p = _agg_f32(g, srcflat, dstp)
    return _last_tc(p, g, degp, b3.reshape(1, -1))

# --- scband reference (transcript-rebuilt; emitter-appended) ---
"""Pipeline reference for scband-galadecoder-58514634441437 (READ-ONLY COPY).

The authoritative reference and input builder live on the scoring server;
editing this copy changes nothing except your own understanding.
"""

import jax, jax.numpy as jnp
import numpy as np

N = 10000
E = 160000
D_IN = 256
D_OUT = 128


def _glorot(k, shape):
    fan_in, fan_out = shape[0], shape[1]
    limit = np.sqrt(6.0 / (fan_in + fan_out))
    return jax.random.uniform(k, shape, jnp.float32, -limit, limit)


def setup_inputs(seed: int = 0) -> dict:
    key = jax.random.key(seed)
    ks = jax.random.split(key, 6)
    x = jax.random.normal(ks[0], (N, D_IN), dtype=jnp.float32)
    edge_index = jax.random.randint(ks[1], (2, E), 0, N, dtype=jnp.int32)
    W1 = _glorot(ks[2], (D_IN, D_IN))
    b1 = jnp.zeros((D_IN,), jnp.float32)
    W2 = _glorot(ks[3], (D_IN, 2 * D_OUT))
    b2 = jnp.zeros((2 * D_OUT,), jnp.float32)
    W3 = _glorot(ks[4], (2 * D_OUT, D_OUT))
    b3 = jnp.zeros((D_OUT,), jnp.float32)
    return {"x": x, "edge_index": edge_index, "W1": W1, "b1": b1, "W2": W2, "b2": b2, "W3": W3, "b3": b3}


def _gcn_conv(x, src, dst, W, b, num_nodes):
    # PyG GCNConv: add self-loops, symmetric normalization deg^-1/2 A deg^-1/2,
    # linear transform (no bias), scatter-add aggregation at dst, then add bias.
    loop = jnp.arange(num_nodes, dtype=src.dtype)
    src2 = jnp.concatenate([src, loop])
    dst2 = jnp.concatenate([dst, loop])
    ones = jnp.ones(src2.shape[0], dtype=x.dtype)
    deg = jax.ops.segment_sum(ones, dst2, num_segments=num_nodes)
    dinv = jnp.where(deg > 0, deg ** -0.5, 0.0)
    norm = dinv[src2] * dinv[dst2]
    h = x @ W
    msg = jnp.take(h, src2, axis=0) * norm[:, None]
    out = jax.ops.segment_sum(msg, dst2, num_segments=num_nodes)
    return out + b


def reference(x, edge_index, W1, b1, W2, b2, W3, b3):
    src = edge_index[0]
    dst = edge_index[1]
    n = x.shape[0]
    h = _gcn_conv(x, src, dst, W1, b1, n)
    h = jax.nn.leaky_relu(h, negative_slope=0.01)
    h = _gcn_conv(h, src, dst, W2, b2, n)
    h = jax.nn.leaky_relu(h, negative_slope=0.01)
    h = _gcn_conv(h, src, dst, W3, b3, n)
    h = jax.nn.leaky_relu(h, negative_slope=0.01)
    return h

if __name__ == "__main__":
    import jax
    _d = setup_inputs()
    print(jax.jit(kernel)(*tuple(_d.values())))

</pallas_src>

<mosaic_0001>
#map = affine_map<(d0, d1) -> (0, 0)>
#map1 = affine_map<(d0, d1) -> (0)>
module attributes {stable_mosaic.version = 14 : i64} {
  func.func @_deg_sc(%arg0: i32, %arg1: i32, %arg2: memref<1280x128xi32, #tpu.memory_space<hbm>>, %arg3: memref<10240xf32, #tpu.memory_space<hbm>>, %arg4: memref<128xf32, #tpu.memory_space<hbm>>, %arg5: memref<20480xf32, #tpu.memory_space<hbm>>, %arg6: memref<10240xf32, #tpu.memory_space<vmem_shared>>, %arg7: memref<128xf32, #tpu.memory_space<vmem>>, %arg8: memref<40x128xi32, #tpu.memory_space<vmem>>, %arg9: memref<!tpu.dma_semaphore, #tpu.memory_space<semaphore_mem>>, %arg10: memref<!tpu.dma_semaphore, #tpu.memory_space<semaphore_mem>>) attributes {dimension_semantics = [#tpu.dimension_semantics<core_parallel>, #tpu.dimension_semantics<subcore_parallel>], iteration_bounds = array<i64: 2, 16>, scalar_prefetch = 0 : i64, scratch_operands = 5 : i64, tpu.core_type = #tpu.core_type<sc_vector_subcore>, window_params = [{transform_indices = #map}, {transform_indices = #map1}, {transform_indices = #map1}, {transform_indices = #map1}]} {
    %lt3A = arith.constant 10 : i32
    %lt3A_0 = arith.cmpi slt, %arg1, %lt3A : i32
    %convert_element_type3A = arith.extui %lt3A_0 : i1 to i32
    %cond3A = arith.constant 0 : i32
    %cond3A_1 = arith.cmpi ne, %convert_element_type3A, %cond3A : i32
    scf.if %cond3A_1 {
      %mul3A_26 = arith.constant 1024 : i32
      %mul3A_27 = arith.muli %arg1, %mul3A_26 : i32
      %mul3A_28 = arith.constant 1024 : i32
      %mul3A_29 = arith.muli %arg1, %mul3A_28 : i32
      "tpu.region"() ({
        %run_scoped3A = tpu.sem_alloc : memref<!tpu.dma_semaphore, #tpu.memory_space<semaphore_mem>>
        %dma_start3A_30 = tpu.memref_slice %arg6[%mul3A_29] : memref<10240xf32, #tpu.memory_space<vmem_shared>> -> memref<1024xf32, #tpu.memory_space<vmem_shared>>
        %dma_start3A_31 = tpu.memref_slice %arg3[%mul3A_27] : memref<10240xf32, #tpu.memory_space<hbm>> -> memref<1024xf32, #tpu.memory_space<hbm>>
        tpu.enqueue_dma source(%dma_start3A_31 : memref<1024xf32, #tpu.memory_space<hbm>>) target(%dma_start3A_30 : memref<1024xf32, #tpu.memory_space<vmem_shared>>) target_semaphore(%run_scoped3A : memref<!tpu.dma_semaphore, #tpu.memory_space<semaphore_mem>>)
        %dma_wait3A_32 = tpu.memref_slice %arg6[%mul3A_29] : memref<10240xf32, #tpu.memory_space<vmem_shared>> -> memref<1024xf32, #tpu.memory_space<vmem_shared>>
        %dma_wait3A_33 = tpu.memref_slice %arg3[%mul3A_27] : memref<10240xf32, #tpu.memory_space<hbm>> -> memref<1024xf32, #tpu.memory_space<hbm>>
        tpu.wait_dma2 semaphore(%run_scoped3A : memref<!tpu.dma_semaphore, #tpu.memory_space<semaphore_mem>>) src(%dma_wait3A_33 : memref<1024xf32, #tpu.memory_space<hbm>>) dst(%dma_wait3A_32 : memref<1024xf32, #tpu.memory_space<vmem_shared>>)
        tpu.yield
      }) : () -> ()
    } else {
    }
    "tpu.region"() ({
      %run_scoped3A = tpu.sem_alloc : memref<!tpu.dma_semaphore, #tpu.memory_space<semaphore_mem>>
      tpu.enqueue_dma source(%arg4 : memref<128xf32, #tpu.memory_space<hbm>>) target(%arg7 : memref<128xf32, #tpu.memory_space<vmem>>) target_semaphore(%run_scoped3A : memref<!tpu.dma_semaphore, #tpu.memory_space<semaphore_mem>>)
      tpu.wait_dma2 semaphore(%run_scoped3A : memref<!tpu.dma_semaphore, #tpu.memory_space<semaphore_mem>>) src(%arg4 : memref<128xf32, #tpu.memory_space<hbm>>) dst(%arg7 : memref<128xf32, #tpu.memory_space<vmem>>)
      tpu.yield
    }) : () -> ()
    %mul3A = arith.constant 640 : i32
    %mul3A_2 = arith.muli %arg0, %mul3A : i32
    %mul3A_3 = arith.constant 40 : i32
    %mul3A_4 = arith.muli %arg1, %mul3A_3 : i32
    %add3A = arith.addi %mul3A_2, %mul3A_4 : i32
    "tpu.region"() ({
      %run_scoped3A = tpu.sem_alloc : memref<!tpu.dma_semaphore, #tpu.memory_space<semaphore_mem>>
      %dma_start3A_26 = arith.constant 0 : i32
      %dma_start3A_27 = tpu.memref_slice %arg2[%add3A, %dma_start3A_26] : memref<1280x128xi32, #tpu.memory_space<hbm>> -> memref<40x128xi32, #tpu.memory_space<hbm>>
      %dma_start3A_28 = arith.constant 0 : i32
      %dma_start3A_29 = tpu.memref_slice %arg2[%add3A, %dma_start3A_28] : memref<1280x128xi32, #tpu.memory_space<hbm>> -> memref<40x128xi32, #tpu.memory_space<hbm>>
      tpu.enqueue_dma source(%dma_start3A_29 : memref<40x128xi32, #tpu.memory_space<hbm>>) target(%arg8 : memref<40x128xi32, #tpu.memory_space<vmem>>) target_semaphore(%run_scoped3A : memref<!tpu.dma_semaphore, #tpu.memory_space<semaphore_mem>>)
      %dma_wait3A_30 = arith.constant 0 : i32
      %dma_wait3A_31 = tpu.memref_slice %arg2[%add3A, %dma_wait3A_30] : memref<1280x128xi32, #tpu.memory_space<hbm>> -> memref<40x128xi32, #tpu.memory_space<hbm>>
      %dma_wait3A_32 = arith.constant 0 : i32
      %dma_wait3A_33 = tpu.memref_slice %arg2[%add3A, %dma_wait3A_32] : memref<1280x128xi32, #tpu.memory_space<hbm>> -> memref<40x128xi32, #tpu.memory_space<hbm>>
      tpu.wait_dma2 semaphore(%run_scoped3A : memref<!tpu.dma_semaphore, #tpu.memory_space<semaphore_mem>>) src(%dma_wait3A_33 : memref<40x128xi32, #tpu.memory_space<hbm>>) dst(%arg8 : memref<40x128xi32, #tpu.memory_space<vmem>>)
      tpu.yield
    }) : () -> ()
    %barrier3A = arith.constant 0 : index
    tpu.barrier barrier_id(%barrier3A)
    %dma_start3A = arith.constant 0 : i32
    %dma_start3A_5 = arith.constant 0 : i32
    %dma_start3A_6 = tpu.memref_slice %arg8[%dma_start3A, %dma_start3A_5] : memref<40x128xi32, #tpu.memory_space<vmem>> -> memref<1x128xi32, #tpu.memory_space<vmem>>
    %dma_start3A_7 = tpu.memref_squeeze %dma_start3A_6 : memref<1x128xi32, #tpu.memory_space<vmem>> -> memref<128xi32, #tpu.memory_space<vmem>>
    %dma_start3A_8 = arith.constant 0 : i32
    %dma_start3A_9 = tpu.memref_slice %arg6[%dma_start3A_8] : memref<10240xf32, #tpu.memory_space<vmem_shared>> -> memref<10240xf32, #tpu.memory_space<vmem_shared>>
    tpu.enqueue_indirect_dma source(%arg7 : memref<128xf32, #tpu.memory_space<vmem>>) target(%dma_start3A_9 : memref<10240xf32, #tpu.memory_space<vmem_shared>>) offsets(%dma_start3A_7 : memref<128xi32, #tpu.memory_space<vmem>>) semaphore(%arg9 : memref<!tpu.dma_semaphore, #tpu.memory_space<semaphore_mem>>) {add = true}
    %scan3A = arith.constant 0 : i32
    %scan3A_10 = arith.constant 0 : i32
    %scan3A_11 = arith.constant 20 : i32
    %scan3A_12 = arith.addi %scan3A_10, %scan3A_11 : i32
    %scan3A_13 = arith.constant 1 : i32
    scf.for %scan3A_26 = %scan3A_10 to %scan3A_12 step %scan3A_13  : i32 {
      %mul3A_27 = arith.constant 2 : i32
      %mul3A_28 = arith.muli %mul3A_27, %scan3A_26 : i32
      %gt3A = arith.constant 0 : i32
      %gt3A_29 = arith.cmpi sgt, %scan3A_26, %gt3A : i32
      %convert_element_type3A_30 = arith.extui %gt3A_29 : i1 to i32
      %cond3A_31 = arith.constant 0 : i32
      %cond3A_32 = arith.cmpi ne, %convert_element_type3A_30, %cond3A_31 : i32
      scf.if %cond3A_32 {
        %sub3A = arith.constant 1 : i32
        %sub3A_50 = arith.subi %mul3A_28, %sub3A : i32
        %dma_wait3A_51 = arith.constant 0 : i32
        %dma_wait3A_52 = tpu.memref_slice %arg8[%sub3A_50, %dma_wait3A_51] : memref<40x128xi32, #tpu.memory_space<vmem>> -> memref<1x128xi32, #tpu.memory_space<vmem>>
        %dma_wait3A_53 = tpu.memref_squeeze %dma_wait3A_52 : memref<1x128xi32, #tpu.memory_space<vmem>> -> memref<128xi32, #tpu.memory_space<vmem>>
        %dma_wait3A_54 = arith.constant 0 : i32
        %dma_wait3A_55 = tpu.memref_slice %arg6[%dma_wait3A_54] : memref<10240xf32, #tpu.memory_space<vmem_shared>> -> memref<10240xf32, #tpu.memory_space<vmem_shared>>
        tpu.wait_indirect_dma semaphore(%arg10 : memref<!tpu.dma_semaphore, #tpu.memory_space<semaphore_mem>>) src(%arg7 : memref<128xf32, #tpu.memory_space<vmem>>) dst(%dma_wait3A_55 : memref<10240xf32, #tpu.memory_space<vmem_shared>>)
      } else {
      }
      %add3A_33 = arith.constant 1 : i32
      %add3A_34 = arith.addi %mul3A_28, %add3A_33 : i32
      %dma_start3A_35 = arith.constant 0 : i32
      %dma_start3A_36 = tpu.memref_slice %arg8[%add3A_34, %dma_start3A_35] : memref<40x128xi32, #tpu.memory_space<vmem>> -> memref<1x128xi32, #tpu.memory_space<vmem>>
      %dma_start3A_37 = tpu.memref_squeeze %dma_start3A_36 : memref<1x128xi32, #tpu.memory_space<vmem>> -> memref<128xi32, #tpu.memory_space<vmem>>
      %dma_start3A_38 = arith.constant 0 : i32
      %dma_start3A_39 = tpu.memref_slice %arg6[%dma_start3A_38] : memref<10240xf32, #tpu.memory_space<vmem_shared>> -> memref<10240xf32, #tpu.memory_space<vmem_shared>>
      tpu.enqueue_indirect_dma source(%arg7 : memref<128xf32, #tpu.memory_space<vmem>>) target(%dma_start3A_39 : memref<10240xf32, #tpu.memory_space<vmem_shared>>) offsets(%dma_start3A_37 : memref<128xi32, #tpu.memory_space<vmem>>) semaphore(%arg10 : memref<!tpu.dma_semaphore, #tpu.memory_space<semaphore_mem>>) {add = true}
      %dma_wait3A_40 = arith.constant 0 : i32
      %dma_wait3A_41 = tpu.memref_slice %arg8[%mul3A_28, %dma_wait3A_40] : memref<40x128xi32, #tpu.memory_space<vmem>> -> memref<1x128xi32, #tpu.memory_space<vmem>>
      %dma_wait3A_42 = tpu.memref_squeeze %dma_wait3A_41 : memref<1x128xi32, #tpu.memory_space<vmem>> -> memref<128xi32, #tpu.memory_space<vmem>>
      %dma_wait3A_43 = arith.constant 0 : i32
      %dma_wait3A_44 = tpu.memref_slice %arg6[%dma_wait3A_43] : memref<10240xf32, #tpu.memory_space<vmem_shared>> -> memref<10240xf32, #tpu.memory_space<vmem_shared>>
      tpu.wait_indirect_dma semaphore(%arg9 : memref<!tpu.dma_semaphore, #tpu.memory_space<semaphore_mem>>) src(%arg7 : memref<128xf32, #tpu.memory_space<vmem>>) dst(%dma_wait3A_44 : memref<10240xf32, #tpu.memory_space<vmem_shared>>)
      %lt3A_45 = arith.constant 19 : i32
      %lt3A_46 = arith.cmpi slt, %scan3A_26, %lt3A_45 : i32
      %convert_element_type3A_47 = arith.extui %lt3A_46 : i1 to i32
      %cond3A_48 = arith.constant 0 : i32
      %cond3A_49 = arith.cmpi ne, %convert_element_type3A_47, %cond3A_48 : i32
      scf.if %cond3A_49 {
        %add3A_50 = arith.constant 2 : i32
        %add3A_51 = arith.addi %mul3A_28, %add3A_50 : i32
        %dma_start3A_52 = arith.constant 0 : i32
        %dma_start3A_53 = tpu.memref_slice %arg8[%add3A_51, %dma_start3A_52] : memref<40x128xi32, #tpu.memory_space<vmem>> -> memref<1x128xi32, #tpu.memory_space<vmem>>
        %dma_start3A_54 = tpu.memref_squeeze %dma_start3A_53 : memref<1x128xi32, #tpu.memory_space<vmem>> -> memref<128xi32, #tpu.memory_space<vmem>>
        %dma_start3A_55 = arith.constant 0 : i32
        %dma_start3A_56 = tpu.memref_slice %arg6[%dma_start3A_55] : memref<10240xf32, #tpu.memory_space<vmem_shared>> -> memref<10240xf32, #tpu.memory_space<vmem_shared>>
        tpu.enqueue_indirect_dma source(%arg7 : memref<128xf32, #tpu.memory_space<vmem>>) target(%dma_start3A_56 : memref<10240xf32, #tpu.memory_space<vmem_shared>>) offsets(%dma_start3A_54 : memref<128xi32, #tpu.memory_space<vmem>>) semaphore(%arg9 : memref<!tpu.dma_semaphore, #tpu.memory_space<semaphore_mem>>) {add = true}
      } else {
      }
    }
    %scan3A_14 = arith.constant 20 : i32
    %dma_wait3A = arith.constant 39 : i32
    %dma_wait3A_15 = arith.constant 0 : i32
    %dma_wait3A_16 = tpu.memref_slice %arg8[%dma_wait3A, %dma_wait3A_15] : memref<40x128xi32, #tpu.memory_space<vmem>> -> memref<1x128xi32, #tpu.memory_space<vmem>>
    %dma_wait3A_17 = tpu.memref_squeeze %dma_wait3A_16 : memref<1x128xi32, #tpu.memory_space<vmem>> -> memref<128xi32, #tpu.memory_space<vmem>>
    %dma_wait3A_18 = arith.constant 0 : i32
    %dma_wait3A_19 = tpu.memref_slice %arg6[%dma_wait3A_18] : memref<10240xf32, #tpu.memory_space<vmem_shared>> -> memref<10240xf32, #tpu.memory_space<vmem_shared>>
    tpu.wait_indirect_dma semaphore(%arg10 : memref<!tpu.dma_semaphore, #tpu.memory_space<semaphore_mem>>) src(%arg7 : memref<128xf32, #tpu.memory_space<vmem>>) dst(%dma_wait3A_19 : memref<10240xf32, #tpu.memory_space<vmem_shared>>)
    %barrier3A_20 = arith.constant 0 : index
    tpu.barrier barrier_id(%barrier3A_20)
    %lt3A_21 = arith.constant 10 : i32
    %lt3A_22 = arith.cmpi slt, %arg1, %lt3A_21 : i32
    %convert_element_type3A_23 = arith.extui %lt3A_22 : i1 to i32
    %cond3A_24 = arith.constant 0 : i32
    %cond3A_25 = arith.cmpi ne, %convert_element_type3A_23, %cond3A_24 : i32
    scf.if %cond3A_25 {
      %mul3A_26 = arith.constant 1024 : i32
      %mul3A_27 = arith.muli %arg1, %mul3A_26 : i32
      %mul3A_28 = arith.constant 10240 : i32
      %mul3A_29 = arith.muli %arg0, %mul3A_28 : i32
      %mul3A_30 = arith.constant 1024 : i32
      %mul3A_31 = arith.muli %arg1, %mul3A_30 : i32
      %add3A_32 = arith.addi %mul3A_29, %mul3A_31 : i32
      "tpu.region"() ({
        %run_scoped3A = tpu.sem_alloc : memref<!tpu.dma_semaphore, #tpu.memory_space<semaphore_mem>>
        %dma_start3A_33 = tpu.memref_slice %arg5[%add3A_32] : memref<20480xf32, #tpu.memory_space<hbm>> -> memref<1024xf32, #tpu.memory_space<hbm>>
        %dma_start3A_34 = tpu.memref_slice %arg6[%mul3A_27] : memref<10240xf32, #tpu.memory_space<vmem_shared>> -> memref<1024xf32, #tpu.memory_space<vmem_shared>>
        tpu.enqueue_dma source(%dma_start3A_34 : memref<1024xf32, #tpu.memory_space<vmem_shared>>) target(%dma_start3A_33 : memref<1024xf32, #tpu.memory_space<hbm>>) target_semaphore(%run_scoped3A : memref<!tpu.dma_semaphore, #tpu.memory_space<semaphore_mem>>)
        %dma_wait3A_35 = tpu.memref_slice %arg5[%add3A_32] : memref<20480xf32, #tpu.memory_space<hbm>> -> memref<1024xf32, #tpu.memory_space<hbm>>
        %dma_wait3A_36 = tpu.memref_slice %arg6[%mul3A_27] : memref<10240xf32, #tpu.memory_space<vmem_shared>> -> memref<1024xf32, #tpu.memory_space<vmem_shared>>
        tpu.wait_dma2 semaphore(%run_scoped3A : memref<!tpu.dma_semaphore, #tpu.memory_space<semaphore_mem>>) src(%dma_wait3A_36 : memref<1024xf32, #tpu.memory_space<vmem_shared>>) dst(%dma_wait3A_35 : memref<1024xf32, #tpu.memory_space<hbm>>)
        tpu.yield
      }) : () -> ()
    } else {
    }
    return
  }
}

#map = affine_map<(d0, d1) -> (0, 0)>
#map1 = affine_map<(d0, d1) -> (0, 0, 0)>
module attributes {stable_mosaic.version = 14 : i64} {
  func.func @_agg_edge_body(%arg0: i32, %arg1: i32, %arg2: memref<10000x256xbf16, #tpu.memory_space<hbm>>, %arg3: memref<1280x128xi32, #tpu.memory_space<hbm>>, %arg4: memref<1280x128xi32, #tpu.memory_space<hbm>>, %arg5: memref<2x10000x256xbf16, #tpu.memory_space<hbm>>, %arg6: memref<10016x256xbf16, #tpu.memory_space<vmem_shared>>, %arg7: memref<40x128xi32, #tpu.memory_space<vmem>>, %arg8: memref<40x128xi32, #tpu.memory_space<vmem>>, %arg9: memref<128x256xbf16, #tpu.memory_space<vmem>>, %arg10: memref<128x256xbf16, #tpu.memory_space<vmem>>, %arg11: memref<!tpu.dma_semaphore, #tpu.memory_space<semaphore_mem>>, %arg12: memref<!tpu.dma_semaphore, #tpu.memory_space<semaphore_mem>>, %arg13: memref<!tpu.dma_semaphore, #tpu.memory_space<semaphore_mem>>, %arg14: memref<!tpu.dma_semaphore, #tpu.memory_space<semaphore_mem>>) attributes {dimension_semantics = [#tpu.dimension_semantics<core_parallel>, #tpu.dimension_semantics<subcore_parallel>], iteration_bounds = array<i64: 2, 16>, scalar_prefetch = 0 : i64, scratch_operands = 9 : i64, tpu.core_type = #tpu.core_type<sc_vector_subcore>, window_params = [{transform_indices = #map}, {transform_indices = #map}, {transform_indices = #map}, {transform_indices = #map1}]} {
    %lt3A = arith.constant 5 : i32
    %lt3A_0 = arith.cmpi slt, %arg1, %lt3A : i32
    %convert_element_type3A = arith.extui %lt3A_0 : i1 to i32
    %cond3A = arith.constant 0 : i32
    %cond3A_1 = arith.cmpi ne, %convert_element_type3A, %cond3A : i32
    scf.if %cond3A_1 {
      %mul3A_28 = arith.constant 2000 : i32
      %mul3A_29 = arith.muli %arg1, %mul3A_28 : i32
      %mul3A_30 = arith.constant 2000 : i32
      %mul3A_31 = arith.muli %arg1, %mul3A_30 : i32
      "tpu.region"() ({
        %run_scoped3A = tpu.sem_alloc : memref<!tpu.dma_semaphore, #tpu.memory_space<semaphore_mem>>
        %dma_start3A_32 = arith.constant 0 : i32
        %dma_start3A_33 = tpu.memref_slice %arg6[%mul3A_31, %dma_start3A_32] : memref<10016x256xbf16, #tpu.memory_space<vmem_shared>> -> memref<2000x256xbf16, #tpu.memory_space<vmem_shared>>
        %dma_start3A_34 = arith.constant 0 : i32
        %dma_start3A_35 = tpu.memref_slice %arg2[%mul3A_29, %dma_start3A_34] : memref<10000x256xbf16, #tpu.memory_space<hbm>> -> memref<2000x256xbf16, #tpu.memory_space<hbm>>
        tpu.enqueue_dma source(%dma_start3A_35 : memref<2000x256xbf16, #tpu.memory_space<hbm>>) target(%dma_start3A_33 : memref<2000x256xbf16, #tpu.memory_space<vmem_shared>>) target_semaphore(%run_scoped3A : memref<!tpu.dma_semaphore, #tpu.memory_space<semaphore_mem>>)
        %dma_wait3A_36 = arith.constant 0 : i32
        %dma_wait3A_37 = tpu.memref_slice %arg6[%mul3A_31, %dma_wait3A_36] : memref<10016x256xbf16, #tpu.memory_space<vmem_shared>> -> memref<2000x256xbf16, #tpu.memory_space<vmem_shared>>
        %dma_wait3A_38 = arith.constant 0 : i32
        %dma_wait3A_39 = tpu.memref_slice %arg2[%mul3A_29, %dma_wait3A_38] : memref<10000x256xbf16, #tpu.memory_space<hbm>> -> memref<2000x256xbf16, #tpu.memory_space<hbm>>
        tpu.wait_dma2 semaphore(%run_scoped3A : memref<!tpu.dma_semaphore, #tpu.memory_space<semaphore_mem>>) src(%dma_wait3A_39 : memref<2000x256xbf16, #tpu.memory_space<hbm>>) dst(%dma_wait3A_37 : memref<2000x256xbf16, #tpu.memory_space<vmem_shared>>)
        tpu.yield
      }) : () -> ()
    } else {
    }
    %mul3A = arith.constant 640 : i32
    %mul3A_2 = arith.muli %arg0, %mul3A : i32
    %mul3A_3 = arith.constant 40 : i32
    %mul3A_4 = arith.muli %arg1, %mul3A_3 : i32
    %add3A = arith.addi %mul3A_2, %mul3A_4 : i32
    "tpu.region"() ({
      %run_scoped3A = tpu.sem_alloc : memref<!tpu.dma_semaphore, #tpu.memory_space<semaphore_mem>>
      %dma_start3A_28 = arith.constant 0 : i32
      %dma_start3A_29 = tpu.memref_slice %arg3[%add3A, %dma_start3A_28] : memref<1280x128xi32, #tpu.memory_space<hbm>> -> memref<40x128xi32, #tpu.memory_space<hbm>>
      %dma_start3A_30 = arith.constant 0 : i32
      %dma_start3A_31 = tpu.memref_slice %arg3[%add3A, %dma_start3A_30] : memref<1280x128xi32, #tpu.memory_space<hbm>> -> memref<40x128xi32, #tpu.memory_space<hbm>>
      tpu.enqueue_dma source(%dma_start3A_31 : memref<40x128xi32, #tpu.memory_space<hbm>>) target(%arg7 : memref<40x128xi32, #tpu.memory_space<vmem>>) target_semaphore(%run_scoped3A : memref<!tpu.dma_semaphore, #tpu.memory_space<semaphore_mem>>)
      %dma_wait3A_32 = arith.constant 0 : i32
      %dma_wait3A_33 = tpu.memref_slice %arg3[%add3A, %dma_wait3A_32] : memref<1280x128xi32, #tpu.memory_space<hbm>> -> memref<40x128xi32, #tpu.memory_space<hbm>>
      %dma_wait3A_34 = arith.constant 0 : i32
      %dma_wait3A_35 = tpu.memref_slice %arg3[%add3A, %dma_wait3A_34] : memref<1280x128xi32, #tpu.memory_space<hbm>> -> memref<40x128xi32, #tpu.memory_space<hbm>>
      tpu.wait_dma2 semaphore(%run_scoped3A : memref<!tpu.dma_semaphore, #tpu.memory_space<semaphore_mem>>) src(%dma_wait3A_35 : memref<40x128xi32, #tpu.memory_space<hbm>>) dst(%arg7 : memref<40x128xi32, #tpu.memory_space<vmem>>)
      tpu.yield
    }) : () -> ()
    "tpu.region"() ({
      %run_scoped3A = tpu.sem_alloc : memref<!tpu.dma_semaphore, #tpu.memory_space<semaphore_mem>>
      %dma_start3A_28 = arith.constant 0 : i32
      %dma_start3A_29 = tpu.memref_slice %arg4[%add3A, %dma_start3A_28] : memref<1280x128xi32, #tpu.memory_space<hbm>> -> memref<40x128xi32, #tpu.memory_space<hbm>>
      %dma_start3A_30 = arith.constant 0 : i32
      %dma_start3A_31 = tpu.memref_slice %arg4[%add3A, %dma_start3A_30] : memref<1280x128xi32, #tpu.memory_space<hbm>> -> memref<40x128xi32, #tpu.memory_space<hbm>>
      tpu.enqueue_dma source(%dma_start3A_31 : memref<40x128xi32, #tpu.memory_space<hbm>>) target(%arg8 : memref<40x128xi32, #tpu.memory_space<vmem>>) target_semaphore(%run_scoped3A : memref<!tpu.dma_semaphore, #tpu.memory_space<semaphore_mem>>)
      %dma_wait3A_32 = arith.constant 0 : i32
      %dma_wait3A_33 = tpu.memref_slice %arg4[%add3A, %dma_wait3A_32] : memref<1280x128xi32, #tpu.memory_space<hbm>> -> memref<40x128xi32, #tpu.memory_space<hbm>>
      %dma_wait3A_34 = arith.constant 0 : i32
      %dma_wait3A_35 = tpu.memref_slice %arg4[%add3A, %dma_wait3A_34] : memref<1280x128xi32, #tpu.memory_space<hbm>> -> memref<40x128xi32, #tpu.memory_space<hbm>>
      tpu.wait_dma2 semaphore(%run_scoped3A : memref<!tpu.dma_semaphore, #tpu.memory_space<semaphore_mem>>) src(%dma_wait3A_35 : memref<40x128xi32, #tpu.memory_space<hbm>>) dst(%arg8 : memref<40x128xi32, #tpu.memory_space<vmem>>)
      tpu.yield
    }) : () -> ()
    %barrier3A = arith.constant 0 : index
    tpu.barrier barrier_id(%barrier3A)
    %dma_start3A = arith.constant 0 : i32
    %dma_start3A_5 = arith.constant 0 : i32
    %dma_start3A_6 = tpu.memref_slice %arg7[%dma_start3A, %dma_start3A_5] : memref<40x128xi32, #tpu.memory_space<vmem>> -> memref<1x128xi32, #tpu.memory_space<vmem>>
    %dma_start3A_7 = tpu.memref_squeeze %dma_start3A_6 : memref<1x128xi32, #tpu.memory_space<vmem>> -> memref<128xi32, #tpu.memory_space<vmem>>
    %dma_start3A_8 = arith.constant 0 : i32
    %dma_start3A_9 = arith.constant 0 : i32
    %dma_start3A_10 = tpu.memref_slice %arg2[%dma_start3A_8, %dma_start3A_9] : memref<10000x256xbf16, #tpu.memory_space<hbm>> -> memref<10000x256xbf16, #tpu.memory_space<hbm>>
    tpu.enqueue_indirect_dma source(%dma_start3A_10 : memref<10000x256xbf16, #tpu.memory_space<hbm>>) target(%arg9 : memref<128x256xbf16, #tpu.memory_space<vmem>>) offsets(%dma_start3A_7 : memref<128xi32, #tpu.memory_space<vmem>>) semaphore(%arg11 : memref<!tpu.dma_semaphore, #tpu.memory_space<semaphore_mem>>)
    %scan3A = arith.constant 0 : i32
    %scan3A_11 = arith.constant 0 : i32
    %scan3A_12 = arith.constant 20 : i32
    %scan3A_13 = arith.addi %scan3A_11, %scan3A_12 : i32
    %scan3A_14 = arith.constant 1 : i32
    scf.for %scan3A_28 = %scan3A_11 to %scan3A_13 step %scan3A_14  : i32 {
      %mul3A_29 = arith.constant 2 : i32
      %mul3A_30 = arith.muli %mul3A_29, %scan3A_28 : i32
      %gt3A = arith.constant 0 : i32
      %gt3A_31 = arith.cmpi sgt, %scan3A_28, %gt3A : i32
      %convert_element_type3A_32 = arith.extui %gt3A_31 : i1 to i32
      %cond3A_33 = arith.constant 0 : i32
      %cond3A_34 = arith.cmpi ne, %convert_element_type3A_32, %cond3A_33 : i32
      scf.if %cond3A_34 {
        %sub3A = arith.constant 1 : i32
        %sub3A_82 = arith.subi %mul3A_30, %sub3A : i32
        %dma_wait3A_83 = arith.constant 0 : i32
        %dma_wait3A_84 = tpu.memref_slice %arg8[%sub3A_82, %dma_wait3A_83] : memref<40x128xi32, #tpu.memory_space<vmem>> -> memref<1x128xi32, #tpu.memory_space<vmem>>
        %dma_wait3A_85 = tpu.memref_squeeze %dma_wait3A_84 : memref<1x128xi32, #tpu.memory_space<vmem>> -> memref<128xi32, #tpu.memory_space<vmem>>
        %dma_wait3A_86 = arith.constant 0 : i32
        %dma_wait3A_87 = arith.constant 0 : i32
        %dma_wait3A_88 = tpu.memref_slice %arg6[%dma_wait3A_86, %dma_wait3A_87] : memref<10016x256xbf16, #tpu.memory_space<vmem_shared>> -> memref<10016x256xbf16, #tpu.memory_space<vmem_shared>>
        tpu.wait_indirect_dma semaphore(%arg14 : memref<!tpu.dma_semaphore, #tpu.memory_space<semaphore_mem>>) src(%arg10 : memref<128x256xbf16, #tpu.memory_space<vmem>>) dst(%dma_wait3A_88 : memref<10016x256xbf16, #tpu.memory_space<vmem_shared>>)
      } else {
      }
      %add3A_35 = arith.constant 1 : i32
      %add3A_36 = arith.addi %mul3A_30, %add3A_35 : i32
      %dma_start3A_37 = arith.constant 0 : i32
      %dma_start3A_38 = tpu.memref_slice %arg7[%add3A_36, %dma_start3A_37] : memref<40x128xi32, #tpu.memory_space<vmem>> -> memref<1x128xi32, #tpu.memory_space<vmem>>
      %dma_start3A_39 = tpu.memref_squeeze %dma_start3A_38 : memref<1x128xi32, #tpu.memory_space<vmem>> -> memref<128xi32, #tpu.memory_space<vmem>>
      %dma_start3A_40 = arith.constant 0 : i32
      %dma_start3A_41 = arith.constant 0 : i32
      %dma_start3A_42 = tpu.memref_slice %arg2[%dma_start3A_40, %dma_start3A_41] : memref<10000x256xbf16, #tpu.memory_space<hbm>> -> memref<10000x256xbf16, #tpu.memory_space<hbm>>
      tpu.enqueue_indirect_dma source(%dma_start3A_42 : memref<10000x256xbf16, #tpu.memory_space<hbm>>) target(%arg10 : memref<128x256xbf16, #tpu.memory_space<vmem>>) offsets(%dma_start3A_39 : memref<128xi32, #tpu.memory_space<vmem>>) semaphore(%arg12 : memref<!tpu.dma_semaphore, #tpu.memory_space<semaphore_mem>>)
      %dma_wait3A_43 = arith.constant 0 : i32
      %dma_wait3A_44 = tpu.memref_slice %arg7[%mul3A_30, %dma_wait3A_43] : memref<40x128xi32, #tpu.memory_space<vmem>> -> memref<1x128xi32, #tpu.memory_space<vmem>>
      %dma_wait3A_45 = tpu.memref_squeeze %dma_wait3A_44 : memref<1x128xi32, #tpu.memory_space<vmem>> -> memref<128xi32, #tpu.memory_space<vmem>>
      %dma_wait3A_46 = arith.constant 0 : i32
      %dma_wait3A_47 = arith.constant 0 : i32
      %dma_wait3A_48 = tpu.memref_slice %arg2[%dma_wait3A_46, %dma_wait3A_47] : memref<10000x256xbf16, #tpu.memory_space<hbm>> -> memref<10000x256xbf16, #tpu.memory_space<hbm>>
      tpu.wait_indirect_dma semaphore(%arg11 : memref<!tpu.dma_semaphore, #tpu.memory_space<semaphore_mem>>) src(%dma_wait3A_48 : memref<10000x256xbf16, #tpu.memory_space<hbm>>) dst(%arg9 : memref<128x256xbf16, #tpu.memory_space<vmem>>)
      %dma_start3A_49 = arith.constant 0 : i32
      %dma_start3A_50 = tpu.memref_slice %arg8[%mul3A_30, %dma_start3A_49] : memref<40x128xi32, #tpu.memory_space<vmem>> -> memref<1x128xi32, #tpu.memory_space<vmem>>
      %dma_start3A_51 = tpu.memref_squeeze %dma_start3A_50 : memref<1x128xi32, #tpu.memory_space<vmem>> -> memref<128xi32, #tpu.memory_space<vmem>>
      %dma_start3A_52 = arith.constant 0 : i32
      %dma_start3A_53 = arith.constant 0 : i32
      %dma_start3A_54 = tpu.memref_slice %arg6[%dma_start3A_52, %dma_start3A_53] : memref<10016x256xbf16, #tpu.memory_space<vmem_shared>> -> memref<10016x256xbf16, #tpu.memory_space<vmem_shared>>
      tpu.enqueue_indirect_dma source(%arg9 : memref<128x256xbf16, #tpu.memory_space<vmem>>) target(%dma_start3A_54 : memref<10016x256xbf16, #tpu.memory_space<vmem_shared>>) offsets(%dma_start3A_51 : memref<128xi32, #tpu.memory_space<vmem>>) semaphore(%arg13 : memref<!tpu.dma_semaphore, #tpu.memory_space<semaphore_mem>>) {add = true}
      %add3A_55 = arith.constant 1 : i32
      %add3A_56 = arith.addi %mul3A_30, %add3A_55 : i32
      %dma_wait3A_57 = arith.constant 0 : i32
      %dma_wait3A_58 = tpu.memref_slice %arg7[%add3A_56, %dma_wait3A_57] : memref<40x128xi32, #tpu.memory_space<vmem>> -> memref<1x128xi32, #tpu.memory_space<vmem>>
      %dma_wait3A_59 = tpu.memref_squeeze %dma_wait3A_58 : memref<1x128xi32, #tpu.memory_space<vmem>> -> memref<128xi32, #tpu.memory_space<vmem>>
      %dma_wait3A_60 = arith.constant 0 : i32
      %dma_wait3A_61 = arith.constant 0 : i32
      %dma_wait3A_62 = tpu.memref_slice %arg2[%dma_wait3A_60, %dma_wait3A_61] : memref<10000x256xbf16, #tpu.memory_space<hbm>> -> memref<10000x256xbf16, #tpu.memory_space<hbm>>
      tpu.wait_indirect_dma semaphore(%arg12 : memref<!tpu.dma_semaphore, #tpu.memory_space<semaphore_mem>>) src(%dma_wait3A_62 : memref<10000x256xbf16, #tpu.memory_space<hbm>>) dst(%arg10 : memref<128x256xbf16, #tpu.memory_space<vmem>>)
      %dma_wait3A_63 = arith.constant 0 : i32
      %dma_wait3A_64 = tpu.memref_slice %arg8[%mul3A_30, %dma_wait3A_63] : memref<40x128xi32, #tpu.memory_space<vmem>> -> memref<1x128xi32, #tpu.memory_space<vmem>>
      %dma_wait3A_65 = tpu.memref_squeeze %dma_wait3A_64 : memref<1x128xi32, #tpu.memory_space<vmem>> -> memref<128xi32, #tpu.memory_space<vmem>>
      %dma_wait3A_66 = arith.constant 0 : i32
      %dma_wait3A_67 = arith.constant 0 : i32
      %dma_wait3A_68 = tpu.memref_slice %arg6[%dma_wait3A_66, %dma_wait3A_67] : memref<10016x256xbf16, #tpu.memory_space<vmem_shared>> -> memref<10016x256xbf16, #tpu.memory_space<vmem_shared>>
      tpu.wait_indirect_dma semaphore(%arg13 : memref<!tpu.dma_semaphore, #tpu.memory_space<semaphore_mem>>) src(%arg9 : memref<128x256xbf16, #tpu.memory_space<vmem>>) dst(%dma_wait3A_68 : memref<10016x256xbf16, #tpu.memory_space<vmem_shared>>)
      %lt3A_69 = arith.constant 19 : i32
      %lt3A_70 = arith.cmpi slt, %scan3A_28, %lt3A_69 : i32
      %convert_element_type3A_71 = arith.extui %lt3A_70 : i1 to i32
      %cond3A_72 = arith.constant 0 : i32
      %cond3A_73 = arith.cmpi ne, %convert_element_type3A_71, %cond3A_72 : i32
      scf.if %cond3A_73 {
        %add3A_82 = arith.constant 2 : i32
        %add3A_83 = arith.addi %mul3A_30, %add3A_82 : i32
        %dma_start3A_84 = arith.constant 0 : i32
        %dma_start3A_85 = tpu.memref_slice %arg7[%add3A_83, %dma_start3A_84] : memref<40x128xi32, #tpu.memory_space<vmem>> -> memref<1x128xi32, #tpu.memory_space<vmem>>
        %dma_start3A_86 = tpu.memref_squeeze %dma_start3A_85 : memref<1x128xi32, #tpu.memory_space<vmem>> -> memref<128xi32, #tpu.memory_space<vmem>>
        %dma_start3A_87 = arith.constant 0 : i32
        %dma_start3A_88 = arith.constant 0 : i32
        %dma_start3A_89 = tpu.memref_slice %arg2[%dma_start3A_87, %dma_start3A_88] : memref<10000x256xbf16, #tpu.memory_space<hbm>> -> memref<10000x256xbf16, #tpu.memory_space<hbm>>
        tpu.enqueue_indirect_dma source(%dma_start3A_89 : memref<10000x256xbf16, #tpu.memory_space<hbm>>) target(%arg9 : memref<128x256xbf16, #tpu.memory_space<vmem>>) offsets(%dma_start3A_86 : memref<128xi32, #tpu.memory_space<vmem>>) semaphore(%arg11 : memref<!tpu.dma_semaphore, #tpu.memory_space<semaphore_mem>>)
      } else {
      }
      %add3A_74 = arith.constant 1 : i32
      %add3A_75 = arith.addi %mul3A_30, %add3A_74 : i32
      %dma_start3A_76 = arith.constant 0 : i32
      %dma_start3A_77 = tpu.memref_slice %arg8[%add3A_75, %dma_start3A_76] : memref<40x128xi32, #tpu.memory_space<vmem>> -> memref<1x128xi32, #tpu.memory_space<vmem>>
      %dma_start3A_78 = tpu.memref_squeeze %dma_start3A_77 : memref<1x128xi32, #tpu.memory_space<vmem>> -> memref<128xi32, #tpu.memory_space<vmem>>
      %dma_start3A_79 = arith.constant 0 : i32
      %dma_start3A_80 = arith.constant 0 : i32
      %dma_start3A_81 = tpu.memref_slice %arg6[%dma_start3A_79, %dma_start3A_80] : memref<10016x256xbf16, #tpu.memory_space<vmem_shared>> -> memref<10016x256xbf16, #tpu.memory_space<vmem_shared>>
      tpu.enqueue_indirect_dma source(%arg10 : memref<128x256xbf16, #tpu.memory_space<vmem>>) target(%dma_start3A_81 : memref<10016x256xbf16, #tpu.memory_space<vmem_shared>>) offsets(%dma_start3A_78 : memref<128xi32, #tpu.memory_space<vmem>>) semaphore(%arg14 : memref<!tpu.dma_semaphore, #tpu.memory_space<semaphore_mem>>) {add = true}
    }
    %scan3A_15 = arith.constant 20 : i32
    %dma_wait3A = arith.constant 39 : i32
    %dma_wait3A_16 = arith.constant 0 : i32
    %dma_wait3A_17 = tpu.memref_slice %arg8[%dma_wait3A, %dma_wait3A_16] : memref<40x128xi32, #tpu.memory_space<vmem>> -> memref<1x128xi32, #tpu.memory_space<vmem>>
    %dma_wait3A_18 = tpu.memref_squeeze %dma_wait3A_17 : memref<1x128xi32, #tpu.memory_space<vmem>> -> memref<128xi32, #tpu.memory_space<vmem>>
    %dma_wait3A_19 = arith.constant 0 : i32
    %dma_wait3A_20 = arith.constant 0 : i32
    %dma_wait3A_21 = tpu.memref_slice %arg6[%dma_wait3A_19, %dma_wait3A_20] : memref<10016x256xbf16, #tpu.memory_space<vmem_shared>> -> memref<10016x256xbf16, #tpu.memory_space<vmem_shared>>
    tpu.wait_indirect_dma semaphore(%arg14 : memref<!tpu.dma_semaphore, #tpu.memory_space<semaphore_mem>>) src(%arg10 : memref<128x256xbf16, #tpu.memory_space<vmem>>) dst(%dma_wait3A_21 : memref<10016x256xbf16, #tpu.memory_space<vmem_shared>>)
    %barrier3A_22 = arith.constant 0 : index
    tpu.barrier barrier_id(%barrier3A_22)
    %lt3A_23 = arith.constant 5 : i32
    %lt3A_24 = arith.cmpi slt, %arg1, %lt3A_23 : i32
    %convert_element_type3A_25 = arith.extui %lt3A_24 : i1 to i32
    %cond3A_26 = arith.constant 0 : i32
    %cond3A_27 = arith.cmpi ne, %convert_element_type3A_25, %cond3A_26 : i32
    scf.if %cond3A_27 {
      %mul3A_28 = arith.constant 2000 : i32
      %mul3A_29 = arith.muli %arg1, %mul3A_28 : i32
      %mul3A_30 = arith.constant 2000 : i32
      %mul3A_31 = arith.muli %arg1, %mul3A_30 : i32
      "tpu.region"() ({
        %run_scoped3A = tpu.sem_alloc : memref<!tpu.dma_semaphore, #tpu.memory_space<semaphore_mem>>
        %dma_start3A_32 = arith.constant 0 : i32
        %dma_start3A_33 = tpu.memref_slice %arg5[%arg0, %mul3A_31, %dma_start3A_32] : memref<2x10000x256xbf16, #tpu.memory_space<hbm>> -> memref<1x2000x256xbf16, #tpu.memory_space<hbm>>
        %dma_start3A_34 = tpu.memref_squeeze %dma_start3A_33 : memref<1x2000x256xbf16, #tpu.memory_space<hbm>> -> memref<2000x256xbf16, #tpu.memory_space<hbm>>
        %dma_start3A_35 = arith.constant 0 : i32
        %dma_start3A_36 = tpu.memref_slice %arg6[%mul3A_29, %dma_start3A_35] : memref<10016x256xbf16, #tpu.memory_space<vmem_shared>> -> memref<2000x256xbf16, #tpu.memory_space<vmem_shared>>
        tpu.enqueue_dma source(%dma_start3A_36 : memref<2000x256xbf16, #tpu.memory_space<vmem_shared>>) target(%dma_start3A_34 : memref<2000x256xbf16, #tpu.memory_space<hbm>>) target_semaphore(%run_scoped3A : memref<!tpu.dma_semaphore, #tpu.memory_space<semaphore_mem>>)
        %dma_wait3A_37 = arith.constant 0 : i32
        %dma_wait3A_38 = tpu.memref_slice %arg5[%arg0, %mul3A_31, %dma_wait3A_37] : memref<2x10000x256xbf16, #tpu.memory_space<hbm>> -> memref<1x2000x256xbf16, #tpu.memory_space<hbm>>
        %dma_wait3A_39 = tpu.memref_squeeze %dma_wait3A_38 : memref<1x2000x256xbf16, #tpu.memory_space<hbm>> -> memref<2000x256xbf16, #tpu.memory_space<hbm>>
        %dma_wait3A_40 = arith.constant 0 : i32
        %dma_wait3A_41 = tpu.memref_slice %arg6[%mul3A_29, %dma_wait3A_40] : memref<10016x256xbf16, #tpu.memory_space<vmem_shared>> -> memref<2000x256xbf16, #tpu.memory_space<vmem_shared>>
        tpu.wait_dma2 semaphore(%run_scoped3A : memref<!tpu.dma_semaphore, #tpu.memory_space<semaphore_mem>>) src(%dma_wait3A_41 : memref<2000x256xbf16, #tpu.memory_space<vmem_shared>>) dst(%dma_wait3A_39 : memref<2000x256xbf16, #tpu.memory_space<hbm>>)
        tpu.yield
      }) : () -> ()
    } else {
    }
    return
  }
}

#map = affine_map<(d0, d1) -> (0, 0)>
#map1 = affine_map<(d0, d1) -> (0, 0, 0)>
module attributes {stable_mosaic.version = 14 : i64} {
  func.func @_agg_edge_body(%arg0: i32, %arg1: i32, %arg2: memref<10000x128xf32, #tpu.memory_space<hbm>>, %arg3: memref<1280x128xi32, #tpu.memory_space<hbm>>, %arg4: memref<1280x128xi32, #tpu.memory_space<hbm>>, %arg5: memref<2x10000x128xf32, #tpu.memory_space<hbm>>, %arg6: memref<10016x128xf32, #tpu.memory_space<vmem_shared>>, %arg7: memref<40x128xi32, #tpu.memory_space<vmem>>, %arg8: memref<40x128xi32, #tpu.memory_space<vmem>>, %arg9: memref<128x128xf32, #tpu.memory_space<vmem>>, %arg10: memref<128x128xf32, #tpu.memory_space<vmem>>, %arg11: memref<!tpu.dma_semaphore, #tpu.memory_space<semaphore_mem>>, %arg12: memref<!tpu.dma_semaphore, #tpu.memory_space<semaphore_mem>>, %arg13: memref<!tpu.dma_semaphore, #tpu.memory_space<semaphore_mem>>, %arg14: memref<!tpu.dma_semaphore, #tpu.memory_space<semaphore_mem>>) attributes {dimension_semantics = [#tpu.dimension_semantics<core_parallel>, #tpu.dimension_semantics<subcore_parallel>], iteration_bounds = array<i64: 2, 16>, scalar_prefetch = 0 : i64, scratch_operands = 9 : i64, tpu.core_type = #tpu.core_type<sc_vector_subcore>, window_params = [{transform_indices = #map}, {transform_indices = #map}, {transform_indices = #map}, {transform_indices = #map1}]} {
    %lt3A = arith.constant 5 : i32
    %lt3A_0 = arith.cmpi slt, %arg1, %lt3A : i32
    %convert_element_type3A = arith.extui %lt3A_0 : i1 to i32
    %cond3A = arith.constant 0 : i32
    %cond3A_1 = arith.cmpi ne, %convert_element_type3A, %cond3A : i32
    scf.if %cond3A_1 {
      %mul3A_28 = arith.constant 2000 : i32
      %mul3A_29 = arith.muli %arg1, %mul3A_28 : i32
      %mul3A_30 = arith.constant 2000 : i32
      %mul3A_31 = arith.muli %arg1, %mul3A_30 : i32
      "tpu.region"() ({
        %run_scoped3A = tpu.sem_alloc : memref<!tpu.dma_semaphore, #tpu.memory_space<semaphore_mem>>
        %dma_start3A_32 = arith.constant 0 : i32
        %dma_start3A_33 = tpu.memref_slice %arg6[%mul3A_31, %dma_start3A_32] : memref<10016x128xf32, #tpu.memory_space<vmem_shared>> -> memref<2000x128xf32, #tpu.memory_space<vmem_shared>>
        %dma_start3A_34 = arith.constant 0 : i32
        %dma_start3A_35 = tpu.memref_slice %arg2[%mul3A_29, %dma_start3A_34] : memref<10000x128xf32, #tpu.memory_space<hbm>> -> memref<2000x128xf32, #tpu.memory_space<hbm>>
        tpu.enqueue_dma source(%dma_start3A_35 : memref<2000x128xf32, #tpu.memory_space<hbm>>) target(%dma_start3A_33 : memref<2000x128xf32, #tpu.memory_space<vmem_shared>>) target_semaphore(%run_scoped3A : memref<!tpu.dma_semaphore, #tpu.memory_space<semaphore_mem>>)
        %dma_wait3A_36 = arith.constant 0 : i32
        %dma_wait3A_37 = tpu.memref_slice %arg6[%mul3A_31, %dma_wait3A_36] : memref<10016x128xf32, #tpu.memory_space<vmem_shared>> -> memref<2000x128xf32, #tpu.memory_space<vmem_shared>>
        %dma_wait3A_38 = arith.constant 0 : i32
        %dma_wait3A_39 = tpu.memref_slice %arg2[%mul3A_29, %dma_wait3A_38] : memref<10000x128xf32, #tpu.memory_space<hbm>> -> memref<2000x128xf32, #tpu.memory_space<hbm>>
        tpu.wait_dma2 semaphore(%run_scoped3A : memref<!tpu.dma_semaphore, #tpu.memory_space<semaphore_mem>>) src(%dma_wait3A_39 : memref<2000x128xf32, #tpu.memory_space<hbm>>) dst(%dma_wait3A_37 : memref<2000x128xf32, #tpu.memory_space<vmem_shared>>)
        tpu.yield
      }) : () -> ()
    } else {
    }
    %mul3A = arith.constant 640 : i32
    %mul3A_2 = arith.muli %arg0, %mul3A : i32
    %mul3A_3 = arith.constant 40 : i32
    %mul3A_4 = arith.muli %arg1, %mul3A_3 : i32
    %add3A = arith.addi %mul3A_2, %mul3A_4 : i32
    "tpu.region"() ({
      %run_scoped3A = tpu.sem_alloc : memref<!tpu.dma_semaphore, #tpu.memory_space<semaphore_mem>>
      %dma_start3A_28 = arith.constant 0 : i32
      %dma_start3A_29 = tpu.memref_slice %arg3[%add3A, %dma_start3A_28] : memref<1280x128xi32, #tpu.memory_space<hbm>> -> memref<40x128xi32, #tpu.memory_space<hbm>>
      %dma_start3A_30 = arith.constant 0 : i32
      %dma_start3A_31 = tpu.memref_slice %arg3[%add3A, %dma_start3A_30] : memref<1280x128xi32, #tpu.memory_space<hbm>> -> memref<40x128xi32, #tpu.memory_space<hbm>>
      tpu.enqueue_dma source(%dma_start3A_31 : memref<40x128xi32, #tpu.memory_space<hbm>>) target(%arg7 : memref<40x128xi32, #tpu.memory_space<vmem>>) target_semaphore(%run_scoped3A : memref<!tpu.dma_semaphore, #tpu.memory_space<semaphore_mem>>)
      %dma_wait3A_32 = arith.constant 0 : i32
      %dma_wait3A_33 = tpu.memref_slice %arg3[%add3A, %dma_wait3A_32] : memref<1280x128xi32, #tpu.memory_space<hbm>> -> memref<40x128xi32, #tpu.memory_space<hbm>>
      %dma_wait3A_34 = arith.constant 0 : i32
      %dma_wait3A_35 = tpu.memref_slice %arg3[%add3A, %dma_wait3A_34] : memref<1280x128xi32, #tpu.memory_space<hbm>> -> memref<40x128xi32, #tpu.memory_space<hbm>>
      tpu.wait_dma2 semaphore(%run_scoped3A : memref<!tpu.dma_semaphore, #tpu.memory_space<semaphore_mem>>) src(%dma_wait3A_35 : memref<40x128xi32, #tpu.memory_space<hbm>>) dst(%arg7 : memref<40x128xi32, #tpu.memory_space<vmem>>)
      tpu.yield
    }) : () -> ()
    "tpu.region"() ({
      %run_scoped3A = tpu.sem_alloc : memref<!tpu.dma_semaphore, #tpu.memory_space<semaphore_mem>>
      %dma_start3A_28 = arith.constant 0 : i32
      %dma_start3A_29 = tpu.memref_slice %arg4[%add3A, %dma_start3A_28] : memref<1280x128xi32, #tpu.memory_space<hbm>> -> memref<40x128xi32, #tpu.memory_space<hbm>>
      %dma_start3A_30 = arith.constant 0 : i32
      %dma_start3A_31 = tpu.memref_slice %arg4[%add3A, %dma_start3A_30] : memref<1280x128xi32, #tpu.memory_space<hbm>> -> memref<40x128xi32, #tpu.memory_space<hbm>>
      tpu.enqueue_dma source(%dma_start3A_31 : memref<40x128xi32, #tpu.memory_space<hbm>>) target(%arg8 : memref<40x128xi32, #tpu.memory_space<vmem>>) target_semaphore(%run_scoped3A : memref<!tpu.dma_semaphore, #tpu.memory_space<semaphore_mem>>)
      %dma_wait3A_32 = arith.constant 0 : i32
      %dma_wait3A_33 = tpu.memref_slice %arg4[%add3A, %dma_wait3A_32] : memref<1280x128xi32, #tpu.memory_space<hbm>> -> memref<40x128xi32, #tpu.memory_space<hbm>>
      %dma_wait3A_34 = arith.constant 0 : i32
      %dma_wait3A_35 = tpu.memref_slice %arg4[%add3A, %dma_wait3A_34] : memref<1280x128xi32, #tpu.memory_space<hbm>> -> memref<40x128xi32, #tpu.memory_space<hbm>>
      tpu.wait_dma2 semaphore(%run_scoped3A : memref<!tpu.dma_semaphore, #tpu.memory_space<semaphore_mem>>) src(%dma_wait3A_35 : memref<40x128xi32, #tpu.memory_space<hbm>>) dst(%arg8 : memref<40x128xi32, #tpu.memory_space<vmem>>)
      tpu.yield
    }) : () -> ()
    %barrier3A = arith.constant 0 : index
    tpu.barrier barrier_id(%barrier3A)
    %dma_start3A = arith.constant 0 : i32
    %dma_start3A_5 = arith.constant 0 : i32
    %dma_start3A_6 = tpu.memref_slice %arg7[%dma_start3A, %dma_start3A_5] : memref<40x128xi32, #tpu.memory_space<vmem>> -> memref<1x128xi32, #tpu.memory_space<vmem>>
    %dma_start3A_7 = tpu.memref_squeeze %dma_start3A_6 : memref<1x128xi32, #tpu.memory_space<vmem>> -> memref<128xi32, #tpu.memory_space<vmem>>
    %dma_start3A_8 = arith.constant 0 : i32
    %dma_start3A_9 = arith.constant 0 : i32
    %dma_start3A_10 = tpu.memref_slice %arg2[%dma_start3A_8, %dma_start3A_9] : memref<10000x128xf32, #tpu.memory_space<hbm>> -> memref<10000x128xf32, #tpu.memory_space<hbm>>
    tpu.enqueue_indirect_dma source(%dma_start3A_10 : memref<10000x128xf32, #tpu.memory_space<hbm>>) target(%arg9 : memref<128x128xf32, #tpu.memory_space<vmem>>) offsets(%dma_start3A_7 : memref<128xi32, #tpu.memory_space<vmem>>) semaphore(%arg11 : memref<!tpu.dma_semaphore, #tpu.memory_space<semaphore_mem>>)
    %scan3A = arith.constant 0 : i32
    %scan3A_11 = arith.constant 0 : i32
    %scan3A_12 = arith.constant 20 : i32
    %scan3A_13 = arith.addi %scan3A_11, %scan3A_12 : i32
    %scan3A_14 = arith.constant 1 : i32
    scf.for %scan3A_28 = %scan3A_11 to %scan3A_13 step %scan3A_14  : i32 {
      %mul3A_29 = arith.constant 2 : i32
      %mul3A_30 = arith.muli %mul3A_29, %scan3A_28 : i32
      %gt3A = arith.constant 0 : i32
      %gt3A_31 = arith.cmpi sgt, %scan3A_28, %gt3A : i32
      %convert_element_type3A_32 = arith.extui %gt3A_31 : i1 to i32
      %cond3A_33 = arith.constant 0 : i32
      %cond3A_34 = arith.cmpi ne, %convert_element_type3A_32, %cond3A_33 : i32
      scf.if %cond3A_34 {
        %sub3A = arith.constant 1 : i32
        %sub3A_82 = arith.subi %mul3A_30, %sub3A : i32
        %dma_wait3A_83 = arith.constant 0 : i32
        %dma_wait3A_84 = tpu.memref_slice %arg8[%sub3A_82, %dma_wait3A_83] : memref<40x128xi32, #tpu.memory_space<vmem>> -> memref<1x128xi32, #tpu.memory_space<vmem>>
        %dma_wait3A_85 = tpu.memref_squeeze %dma_wait3A_84 : memref<1x128xi32, #tpu.memory_space<vmem>> -> memref<128xi32, #tpu.memory_space<vmem>>
        %dma_wait3A_86 = arith.constant 0 : i32
        %dma_wait3A_87 = arith.constant 0 : i32
        %dma_wait3A_88 = tpu.memref_slice %arg6[%dma_wait3A_86, %dma_wait3A_87] : memref<10016x128xf32, #tpu.memory_space<vmem_shared>> -> memref<10016x128xf32, #tpu.memory_space<vmem_shared>>
        tpu.wait_indirect_dma semaphore(%arg14 : memref<!tpu.dma_semaphore, #tpu.memory_space<semaphore_mem>>) src(%arg10 : memref<128x128xf32, #tpu.memory_space<vmem>>) dst(%dma_wait3A_88 : memref<10016x128xf32, #tpu.memory_space<vmem_shared>>)
      } else {
      }
      %add3A_35 = arith.constant 1 : i32
      %add3A_36 = arith.addi %mul3A_30, %add3A_35 : i32
      %dma_start3A_37 = arith.constant 0 : i32
      %dma_start3A_38 = tpu.memref_slice %arg7[%add3A_36, %dma_start3A_37] : memref<40x128xi32, #tpu.memory_space<vmem>> -> memref<1x128xi32, #tpu.memory_space<vmem>>
      %dma_start3A_39 = tpu.memref_squeeze %dma_start3A_38 : memref<1x128xi32, #tpu.memory_space<vmem>> -> memref<128xi32, #tpu.memory_space<vmem>>
      %dma_start3A_40 = arith.constant 0 : i32
      %dma_start3A_41 = arith.constant 0 : i32
      %dma_start3A_42 = tpu.memref_slice %arg2[%dma_start3A_40, %dma_start3A_41] : memref<10000x128xf32, #tpu.memory_space<hbm>> -> memref<10000x128xf32, #tpu.memory_space<hbm>>
      tpu.enqueue_indirect_dma source(%dma_start3A_42 : memref<10000x128xf32, #tpu.memory_space<hbm>>) target(%arg10 : memref<128x128xf32, #tpu.memory_space<vmem>>) offsets(%dma_start3A_39 : memref<128xi32, #tpu.memory_space<vmem>>) semaphore(%arg12 : memref<!tpu.dma_semaphore, #tpu.memory_space<semaphore_mem>>)
      %dma_wait3A_43 = arith.constant 0 : i32
      %dma_wait3A_44 = tpu.memref_slice %arg7[%mul3A_30, %dma_wait3A_43] : memref<40x128xi32, #tpu.memory_space<vmem>> -> memref<1x128xi32, #tpu.memory_space<vmem>>
      %dma_wait3A_45 = tpu.memref_squeeze %dma_wait3A_44 : memref<1x128xi32, #tpu.memory_space<vmem>> -> memref<128xi32, #tpu.memory_space<vmem>>
      %dma_wait3A_46 = arith.constant 0 : i32
      %dma_wait3A_47 = arith.constant 0 : i32
      %dma_wait3A_48 = tpu.memref_slice %arg2[%dma_wait3A_46, %dma_wait3A_47] : memref<10000x128xf32, #tpu.memory_space<hbm>> -> memref<10000x128xf32, #tpu.memory_space<hbm>>
      tpu.wait_indirect_dma semaphore(%arg11 : memref<!tpu.dma_semaphore, #tpu.memory_space<semaphore_mem>>) src(%dma_wait3A_48 : memref<10000x128xf32, #tpu.memory_space<hbm>>) dst(%arg9 : memref<128x128xf32, #tpu.memory_space<vmem>>)
      %dma_start3A_49 = arith.constant 0 : i32
      %dma_start3A_50 = tpu.memref_slice %arg8[%mul3A_30, %dma_start3A_49] : memref<40x128xi32, #tpu.memory_space<vmem>> -> memref<1x128xi32, #tpu.memory_space<vmem>>
      %dma_start3A_51 = tpu.memref_squeeze %dma_start3A_50 : memref<1x128xi32, #tpu.memory_space<vmem>> -> memref<128xi32, #tpu.memory_space<vmem>>
      %dma_start3A_52 = arith.constant 0 : i32
      %dma_start3A_53 = arith.constant 0 : i32
      %dma_start3A_54 = tpu.memref_slice %arg6[%dma_start3A_52, %dma_start3A_53] : memref<10016x128xf32, #tpu.memory_space<vmem_shared>> -> memref<10016x128xf32, #tpu.memory_space<vmem_shared>>
      tpu.enqueue_indirect_dma source(%arg9 : memref<128x128xf32, #tpu.memory_space<vmem>>) target(%dma_start3A_54 : memref<10016x128xf32, #tpu.memory_space<vmem_shared>>) offsets(%dma_start3A_51 : memref<128xi32, #tpu.memory_space<vmem>>) semaphore(%arg13 : memref<!tpu.dma_semaphore, #tpu.memory_space<semaphore_mem>>) {add = true}
      %add3A_55 = arith.constant 1 : i32
      %add3A_56 = arith.addi %mul3A_30, %add3A_55 : i32
      %dma_wait3A_57 = arith.constant 0 : i32
      %dma_wait3A_58 = tpu.memref_slice %arg7[%add3A_56, %dma_wait3A_57] : memref<40x128xi32, #tpu.memory_space<vmem>> -> memref<1x128xi32, #tpu.memory_space<vmem>>
      %dma_wait3A_59 = tpu.memref_squeeze %dma_wait3A_58 : memref<1x128xi32, #tpu.memory_space<vmem>> -> memref<128xi32, #tpu.memory_space<vmem>>
      %dma_wait3A_60 = arith.constant 0 : i32
      %dma_wait3A_61 = arith.constant 0 : i32
      %dma_wait3A_62 = tpu.memref_slice %arg2[%dma_wait3A_60, %dma_wait3A_61] : memref<10000x128xf32, #tpu.memory_space<hbm>> -> memref<10000x128xf32, #tpu.memory_space<hbm>>
      tpu.wait_indirect_dma semaphore(%arg12 : memref<!tpu.dma_semaphore, #tpu.memory_space<semaphore_mem>>) src(%dma_wait3A_62 : memref<10000x128xf32, #tpu.memory_space<hbm>>) dst(%arg10 : memref<128x128xf32, #tpu.memory_space<vmem>>)
      %dma_wait3A_63 = arith.constant 0 : i32
      %dma_wait3A_64 = tpu.memref_slice %arg8[%mul3A_30, %dma_wait3A_63] : memref<40x128xi32, #tpu.memory_space<vmem>> -> memref<1x128xi32, #tpu.memory_space<vmem>>
      %dma_wait3A_65 = tpu.memref_squeeze %dma_wait3A_64 : memref<1x128xi32, #tpu.memory_space<vmem>> -> memref<128xi32, #tpu.memory_space<vmem>>
      %dma_wait3A_66 = arith.constant 0 : i32
      %dma_wait3A_67 = arith.constant 0 : i32
      %dma_wait3A_68 = tpu.memref_slice %arg6[%dma_wait3A_66, %dma_wait3A_67] : memref<10016x128xf32, #tpu.memory_space<vmem_shared>> -> memref<10016x128xf32, #tpu.memory_space<vmem_shared>>
      tpu.wait_indirect_dma semaphore(%arg13 : memref<!tpu.dma_semaphore, #tpu.memory_space<semaphore_mem>>) src(%arg9 : memref<128x128xf32, #tpu.memory_space<vmem>>) dst(%dma_wait3A_68 : memref<10016x128xf32, #tpu.memory_space<vmem_shared>>)
      %lt3A_69 = arith.constant 19 : i32
      %lt3A_70 = arith.cmpi slt, %scan3A_28, %lt3A_69 : i32
      %convert_element_type3A_71 = arith.extui %lt3A_70 : i1 to i32
      %cond3A_72 = arith.constant 0 : i32
      %cond3A_73 = arith.cmpi ne, %convert_element_type3A_71, %cond3A_72 : i32
      scf.if %cond3A_73 {
        %add3A_82 = arith.constant 2 : i32
        %add3A_83 = arith.addi %mul3A_30, %add3A_82 : i32
        %dma_start3A_84 = arith.constant 0 : i32
        %dma_start3A_85 = tpu.memref_slice %arg7[%add3A_83, %dma_start3A_84] : memref<40x128xi32, #tpu.memory_space<vmem>> -> memref<1x128xi32, #tpu.memory_space<vmem>>
        %dma_start3A_86 = tpu.memref_squeeze %dma_start3A_85 : memref<1x128xi32, #tpu.memory_space<vmem>> -> memref<128xi32, #tpu.memory_space<vmem>>
        %dma_start3A_87 = arith.constant 0 : i32
        %dma_start3A_88 = arith.constant 0 : i32
        %dma_start3A_89 = tpu.memref_slice %arg2[%dma_start3A_87, %dma_start3A_88] : memref<10000x128xf32, #tpu.memory_space<hbm>> -> memref<10000x128xf32, #tpu.memory_space<hbm>>
        tpu.enqueue_indirect_dma source(%dma_start3A_89 : memref<10000x128xf32, #tpu.memory_space<hbm>>) target(%arg9 : memref<128x128xf32, #tpu.memory_space<vmem>>) offsets(%dma_start3A_86 : memref<128xi32, #tpu.memory_space<vmem>>) semaphore(%arg11 : memref<!tpu.dma_semaphore, #tpu.memory_space<semaphore_mem>>)
      } else {
      }
      %add3A_74 = arith.constant 1 : i32
      %add3A_75 = arith.addi %mul3A_30, %add3A_74 : i32
      %dma_start3A_76 = arith.constant 0 : i32
      %dma_start3A_77 = tpu.memref_slice %arg8[%add3A_75, %dma_start3A_76] : memref<40x128xi32, #tpu.memory_space<vmem>> -> memref<1x128xi32, #tpu.memory_space<vmem>>
      %dma_start3A_78 = tpu.memref_squeeze %dma_start3A_77 : memref<1x128xi32, #tpu.memory_space<vmem>> -> memref<128xi32, #tpu.memory_space<vmem>>
      %dma_start3A_79 = arith.constant 0 : i32
      %dma_start3A_80 = arith.constant 0 : i32
      %dma_start3A_81 = tpu.memref_slice %arg6[%dma_start3A_79, %dma_start3A_80] : memref<10016x128xf32, #tpu.memory_space<vmem_shared>> -> memref<10016x128xf32, #tpu.memory_space<vmem_shared>>
      tpu.enqueue_indirect_dma source(%arg10 : memref<128x128xf32, #tpu.memory_space<vmem>>) target(%dma_start3A_81 : memref<10016x128xf32, #tpu.memory_space<vmem_shared>>) offsets(%dma_start3A_78 : memref<128xi32, #tpu.memory_space<vmem>>) semaphore(%arg14 : memref<!tpu.dma_semaphore, #tpu.memory_space<semaphore_mem>>) {add = true}
    }
    %scan3A_15 = arith.constant 20 : i32
    %dma_wait3A = arith.constant 39 : i32
    %dma_wait3A_16 = arith.constant 0 : i32
    %dma_wait3A_17 = tpu.memref_slice %arg8[%dma_wait3A, %dma_wait3A_16] : memref<40x128xi32, #tpu.memory_space<vmem>> -> memref<1x128xi32, #tpu.memory_space<vmem>>
    %dma_wait3A_18 = tpu.memref_squeeze %dma_wait3A_17 : memref<1x128xi32, #tpu.memory_space<vmem>> -> memref<128xi32, #tpu.memory_space<vmem>>
    %dma_wait3A_19 = arith.constant 0 : i32
    %dma_wait3A_20 = arith.constant 0 : i32
    %dma_wait3A_21 = tpu.memref_slice %arg6[%dma_wait3A_19, %dma_wait3A_20] : memref<10016x128xf32, #tpu.memory_space<vmem_shared>> -> memref<10016x128xf32, #tpu.memory_space<vmem_shared>>
    tpu.wait_indirect_dma semaphore(%arg14 : memref<!tpu.dma_semaphore, #tpu.memory_space<semaphore_mem>>) src(%arg10 : memref<128x128xf32, #tpu.memory_space<vmem>>) dst(%dma_wait3A_21 : memref<10016x128xf32, #tpu.memory_space<vmem_shared>>)
    %barrier3A_22 = arith.constant 0 : index
    tpu.barrier barrier_id(%barrier3A_22)
    %lt3A_23 = arith.constant 5 : i32
    %lt3A_24 = arith.cmpi slt, %arg1, %lt3A_23 : i32
    %convert_element_type3A_25 = arith.extui %lt3A_24 : i1 to i32
    %cond3A_26 = arith.constant 0 : i32
    %cond3A_27 = arith.cmpi ne, %convert_element_type3A_25, %cond3A_26 : i32
    scf.if %cond3A_27 {
      %mul3A_28 = arith.constant 2000 : i32
      %mul3A_29 = arith.muli %arg1, %mul3A_28 : i32
      %mul3A_30 = arith.constant 2000 : i32
      %mul3A_31 = arith.muli %arg1, %mul3A_30 : i32
      "tpu.region"() ({
        %run_scoped3A = tpu.sem_alloc : memref<!tpu.dma_semaphore, #tpu.memory_space<semaphore_mem>>
        %dma_start3A_32 = arith.constant 0 : i32
        %dma_start3A_33 = tpu.memref_slice %arg5[%arg0, %mul3A_31, %dma_start3A_32] : memref<2x10000x128xf32, #tpu.memory_space<hbm>> -> memref<1x2000x128xf32, #tpu.memory_space<hbm>>
        %dma_start3A_34 = tpu.memref_squeeze %dma_start3A_33 : memref<1x2000x128xf32, #tpu.memory_space<hbm>> -> memref<2000x128xf32, #tpu.memory_space<hbm>>
        %dma_start3A_35 = arith.constant 0 : i32
        %dma_start3A_36 = tpu.memref_slice %arg6[%mul3A_29, %dma_start3A_35] : memref<10016x128xf32, #tpu.memory_space<vmem_shared>> -> memref<2000x128xf32, #tpu.memory_space<vmem_shared>>
        tpu.enqueue_dma source(%dma_start3A_36 : memref<2000x128xf32, #tpu.memory_space<vmem_shared>>) target(%dma_start3A_34 : memref<2000x128xf32, #tpu.memory_space<hbm>>) target_semaphore(%run_scoped3A : memref<!tpu.dma_semaphore, #tpu.memory_space<semaphore_mem>>)
        %dma_wait3A_37 = arith.constant 0 : i32
        %dma_wait3A_38 = tpu.memref_slice %arg5[%arg0, %mul3A_31, %dma_wait3A_37] : memref<2x10000x128xf32, #tpu.memory_space<hbm>> -> memref<1x2000x128xf32, #tpu.memory_space<hbm>>
        %dma_wait3A_39 = tpu.memref_squeeze %dma_wait3A_38 : memref<1x2000x128xf32, #tpu.memory_space<hbm>> -> memref<2000x128xf32, #tpu.memory_space<hbm>>
        %dma_wait3A_40 = arith.constant 0 : i32
        %dma_wait3A_41 = tpu.memref_slice %arg6[%mul3A_29, %dma_wait3A_40] : memref<10016x128xf32, #tpu.memory_space<vmem_shared>> -> memref<2000x128xf32, #tpu.memory_space<vmem_shared>>
        tpu.wait_dma2 semaphore(%run_scoped3A : memref<!tpu.dma_semaphore, #tpu.memory_space<semaphore_mem>>) src(%dma_wait3A_41 : memref<2000x128xf32, #tpu.memory_space<vmem_shared>>) dst(%dma_wait3A_39 : memref<2000x128xf32, #tpu.memory_space<hbm>>)
        tpu.yield
      }) : () -> ()
    } else {
    }
    return
  }
}

#map = affine_map<(d0, d1) -> (0, 0)>
#map1 = affine_map<(d0, d1) -> (0, 0, 0)>
module attributes {stable_mosaic.version = 14 : i64} {
  func.func @_agg_edge_body(%arg0: i32, %arg1: i32, %arg2: memref<10000x256xbf16, #tpu.memory_space<hbm>>, %arg3: memref<1280x128xi32, #tpu.memory_space<hbm>>, %arg4: memref<1280x128xi32, #tpu.memory_space<hbm>>, %arg5: memref<2x10000x256xbf16, #tpu.memory_space<hbm>>, %arg6: memref<10016x256xbf16, #tpu.memory_space<vmem_shared>>, %arg7: memref<40x128xi32, #tpu.memory_space<vmem>>, %arg8: memref<40x128xi32, #tpu.memory_space<vmem>>, %arg9: memref<128x256xbf16, #tpu.memory_space<vmem>>, %arg10: memref<128x256xbf16, #tpu.memory_space<vmem>>, %arg11: memref<!tpu.dma_semaphore, #tpu.memory_space<semaphore_mem>>, %arg12: memref<!tpu.dma_semaphore, #tpu.memory_space<semaphore_mem>>, %arg13: memref<!tpu.dma_semaphore, #tpu.memory_space<semaphore_mem>>, %arg14: memref<!tpu.dma_semaphore, #tpu.memory_space<semaphore_mem>>) attributes {dimension_semantics = [#tpu.dimension_semantics<core_parallel>, #tpu.dimension_semantics<subcore_parallel>], iteration_bounds = array<i64: 2, 16>, scalar_prefetch = 0 : i64, scratch_operands = 9 : i64, tpu.core_type = #tpu.core_type<sc_vector_subcore>, window_params = [{transform_indices = #map}, {transform_indices = #map}, {transform_indices = #map}, {transform_indices = #map1}]} {
    %lt3A = arith.constant 5 : i32
    %lt3A_0 = arith.cmpi slt, %arg1, %lt3A : i32
    %convert_element_type3A = arith.extui %lt3A_0 : i1 to i32
    %cond3A = arith.constant 0 : i32
    %cond3A_1 = arith.cmpi ne, %convert_element_type3A, %cond3A : i32
    scf.if %cond3A_1 {
      %mul3A_28 = arith.constant 2000 : i32
      %mul3A_29 = arith.muli %arg1, %mul3A_28 : i32
      %mul3A_30 = arith.constant 2000 : i32
      %mul3A_31 = arith.muli %arg1, %mul3A_30 : i32
      "tpu.region"() ({
        %run_scoped3A = tpu.sem_alloc : memref<!tpu.dma_semaphore, #tpu.memory_space<semaphore_mem>>
        %dma_start3A_32 = arith.constant 0 : i32
        %dma_start3A_33 = tpu.memref_slice %arg6[%mul3A_31, %dma_start3A_32] : memref<10016x256xbf16, #tpu.memory_space<vmem_shared>> -> memref<2000x256xbf16, #tpu.memory_space<vmem_shared>>
        %dma_start3A_34 = arith.constant 0 : i32
        %dma_start3A_35 = tpu.memref_slice %arg2[%mul3A_29, %dma_start3A_34] : memref<10000x256xbf16, #tpu.memory_space<hbm>> -> memref<2000x256xbf16, #tpu.memory_space<hbm>>
        tpu.enqueue_dma source(%dma_start3A_35 : memref<2000x256xbf16, #tpu.memory_space<hbm>>) target(%dma_start3A_33 : memref<2000x256xbf16, #tpu.memory_space<vmem_shared>>) target_semaphore(%run_scoped3A : memref<!tpu.dma_semaphore, #tpu.memory_space<semaphore_mem>>)
        %dma_wait3A_36 = arith.constant 0 : i32
        %dma_wait3A_37 = tpu.memref_slice %arg6[%mul3A_31, %dma_wait3A_36] : memref<10016x256xbf16, #tpu.memory_space<vmem_shared>> -> memref<2000x256xbf16, #tpu.memory_space<vmem_shared>>
        %dma_wait3A_38 = arith.constant 0 : i32
        %dma_wait3A_39 = tpu.memref_slice %arg2[%mul3A_29, %dma_wait3A_38] : memref<10000x256xbf16, #tpu.memory_space<hbm>> -> memref<2000x256xbf16, #tpu.memory_space<hbm>>
        tpu.wait_dma2 semaphore(%run_scoped3A : memref<!tpu.dma_semaphore, #tpu.memory_space<semaphore_mem>>) src(%dma_wait3A_39 : memref<2000x256xbf16, #tpu.memory_space<hbm>>) dst(%dma_wait3A_37 : memref<2000x256xbf16, #tpu.memory_space<vmem_shared>>)
        tpu.yield
      }) : () -> ()
    } else {
    }
    %mul3A = arith.constant 640 : i32
    %mul3A_2 = arith.muli %arg0, %mul3A : i32
    %mul3A_3 = arith.constant 40 : i32
    %mul3A_4 = arith.muli %arg1, %mul3A_3 : i32
    %add3A = arith.addi %mul3A_2, %mul3A_4 : i32
    "tpu.region"() ({
      %run_scoped3A = tpu.sem_alloc : memref<!tpu.dma_semaphore, #tpu.memory_space<semaphore_mem>>
      %dma_start3A_28 = arith.constant 0 : i32
      %dma_start3A_29 = tpu.memref_slice %arg3[%add3A, %dma_start3A_28] : memref<1280x128xi32, #tpu.memory_space<hbm>> -> memref<40x128xi32, #tpu.memory_space<hbm>>
      %dma_start3A_30 = arith.constant 0 : i32
      %dma_start3A_31 = tpu.memref_slice %arg3[%add3A, %dma_start3A_30] : memref<1280x128xi32, #tpu.memory_space<hbm>> -> memref<40x128xi32, #tpu.memory_space<hbm>>
      tpu.enqueue_dma source(%dma_start3A_31 : memref<40x128xi32, #tpu.memory_space<hbm>>) target(%arg7 : memref<40x128xi32, #tpu.memory_space<vmem>>) target_semaphore(%run_scoped3A : memref<!tpu.dma_semaphore, #tpu.memory_space<semaphore_mem>>)
      %dma_wait3A_32 = arith.constant 0 : i32
      %dma_wait3A_33 = tpu.memref_slice %arg3[%add3A, %dma_wait3A_32] : memref<1280x128xi32, #tpu.memory_space<hbm>> -> memref<40x128xi32, #tpu.memory_space<hbm>>
      %dma_wait3A_34 = arith.constant 0 : i32
      %dma_wait3A_35 = tpu.memref_slice %arg3[%add3A, %dma_wait3A_34] : memref<1280x128xi32, #tpu.memory_space<hbm>> -> memref<40x128xi32, #tpu.memory_space<hbm>>
      tpu.wait_dma2 semaphore(%run_scoped3A : memref<!tpu.dma_semaphore, #tpu.memory_space<semaphore_mem>>) src(%dma_wait3A_35 : memref<40x128xi32, #tpu.memory_space<hbm>>) dst(%arg7 : memref<40x128xi32, #tpu.memory_space<vmem>>)
      tpu.yield
    }) : () -> ()
    "tpu.region"() ({
      %run_scoped3A = tpu.sem_alloc : memref<!tpu.dma_semaphore, #tpu.memory_space<semaphore_mem>>
      %dma_start3A_28 = arith.constant 0 : i32
      %dma_start3A_29 = tpu.memref_slice %arg4[%add3A, %dma_start3A_28] : memref<1280x128xi32, #tpu.memory_space<hbm>> -> memref<40x128xi32, #tpu.memory_space<hbm>>
      %dma_start3A_30 = arith.constant 0 : i32
      %dma_start3A_31 = tpu.memref_slice %arg4[%add3A, %dma_start3A_30] : memref<1280x128xi32, #tpu.memory_space<hbm>> -> memref<40x128xi32, #tpu.memory_space<hbm>>
      tpu.enqueue_dma source(%dma_start3A_31 : memref<40x128xi32, #tpu.memory_space<hbm>>) target(%arg8 : memref<40x128xi32, #tpu.memory_space<vmem>>) target_semaphore(%run_scoped3A : memref<!tpu.dma_semaphore, #tpu.memory_space<semaphore_mem>>)
      %dma_wait3A_32 = arith.constant 0 : i32
      %dma_wait3A_33 = tpu.memref_slice %arg4[%add3A, %dma_wait3A_32] : memref<1280x128xi32, #tpu.memory_space<hbm>> -> memref<40x128xi32, #tpu.memory_space<hbm>>
      %dma_wait3A_34 = arith.constant 0 : i32
      %dma_wait3A_35 = tpu.memref_slice %arg4[%add3A, %dma_wait3A_34] : memref<1280x128xi32, #tpu.memory_space<hbm>> -> memref<40x128xi32, #tpu.memory_space<hbm>>
      tpu.wait_dma2 semaphore(%run_scoped3A : memref<!tpu.dma_semaphore, #tpu.memory_space<semaphore_mem>>) src(%dma_wait3A_35 : memref<40x128xi32, #tpu.memory_space<hbm>>) dst(%arg8 : memref<40x128xi32, #tpu.memory_space<vmem>>)
      tpu.yield
    }) : () -> ()
    %barrier3A = arith.constant 0 : index
    tpu.barrier barrier_id(%barrier3A)
    %dma_start3A = arith.constant 0 : i32
    %dma_start3A_5 = arith.constant 0 : i32
    %dma_start3A_6 = tpu.memref_slice %arg7[%dma_start3A, %dma_start3A_5] : memref<40x128xi32, #tpu.memory_space<vmem>> -> memref<1x128xi32, #tpu.memory_space<vmem>>
    %dma_start3A_7 = tpu.memref_squeeze %dma_start3A_6 : memref<1x128xi32, #tpu.memory_space<vmem>> -> memref<128xi32, #tpu.memory_space<vmem>>
    %dma_start3A_8 = arith.constant 0 : i32
    %dma_start3A_9 = arith.constant 0 : i32
    %dma_start3A_10 = tpu.memref_slice %arg2[%dma_start3A_8, %dma_start3A_9] : memref<10000x256xbf16, #tpu.memory_space<hbm>> -> memref<10000x256xbf16, #tpu.memory_space<hbm>>
    tpu.enqueue_indirect_dma source(%dma_start3A_10 : memref<10000x256xbf16, #tpu.memory_space<hbm>>) target(%arg9 : memref<128x256xbf16, #tpu.memory_space<vmem>>) offsets(%dma_start3A_7 : memref<128xi32, #tpu.memory_space<vmem>>) semaphore(%arg11 : memref<!tpu.dma_semaphore, #tpu.memory_space<semaphore_mem>>)
    %scan3A = arith.constant 0 : i32
    %scan3A_11 = arith.constant 0 : i32
    %scan3A_12 = arith.constant 20 : i32
    %scan3A_13 = arith.addi %scan3A_11, %scan3A_12 : i32
    %scan3A_14 = arith.constant 1 : i32
    scf.for %scan3A_28 = %scan3A_11 to %scan3A_13 step %scan3A_14  : i32 {
      %mul3A_29 = arith.constant 2 : i32
      %mul3A_30 = arith.muli %mul3A_29, %scan3A_28 : i32
      %gt3A = arith.constant 0 : i32
      %gt3A_31 = arith.cmpi sgt, %scan3A_28, %gt3A : i32
      %convert_element_type3A_32 = arith.extui %gt3A_31 : i1 to i32
      %cond3A_33 = arith.constant 0 : i32
      %cond3A_34 = arith.cmpi ne, %convert_element_type3A_32, %cond3A_33 : i32
      scf.if %cond3A_34 {
        %sub3A = arith.constant 1 : i32
        %sub3A_82 = arith.subi %mul3A_30, %sub3A : i32
        %dma_wait3A_83 = arith.constant 0 : i32
        %dma_wait3A_84 = tpu.memref_slice %arg8[%sub3A_82, %dma_wait3A_83] : memref<40x128xi32, #tpu.memory_space<vmem>> -> memref<1x128xi32, #tpu.memory_space<vmem>>
        %dma_wait3A_85 = tpu.memref_squeeze %dma_wait3A_84 : memref<1x128xi32, #tpu.memory_space<vmem>> -> memref<128xi32, #tpu.memory_space<vmem>>
        %dma_wait3A_86 = arith.constant 0 : i32
        %dma_wait3A_87 = arith.constant 0 : i32
        %dma_wait3A_88 = tpu.memref_slice %arg6[%dma_wait3A_86, %dma_wait3A_87] : memref<10016x256xbf16, #tpu.memory_space<vmem_shared>> -> memref<10016x256xbf16, #tpu.memory_space<vmem_shared>>
        tpu.wait_indirect_dma semaphore(%arg14 : memref<!tpu.dma_semaphore, #tpu.memory_space<semaphore_mem>>) src(%arg10 : memref<128x256xbf16, #tpu.memory_space<vmem>>) dst(%dma_wait3A_88 : memref<10016x256xbf16, #tpu.memory_space<vmem_shared>>)
      } else {
      }
      %add3A_35 = arith.constant 1 : i32
      %add3A_36 = arith.addi %mul3A_30, %add3A_35 : i32
      %dma_start3A_37 = arith.constant 0 : i32
      %dma_start3A_38 = tpu.memref_slice %arg7[%add3A_36, %dma_start3A_37] : memref<40x128xi32, #tpu.memory_space<vmem>> -> memref<1x128xi32, #tpu.memory_space<vmem>>
      %dma_start3A_39 = tpu.memref_squeeze %dma_start3A_38 : memref<1x128xi32, #tpu.memory_space<vmem>> -> memref<128xi32, #tpu.memory_space<vmem>>
      %dma_start3A_40 = arith.constant 0 : i32
      %dma_start3A_41 = arith.constant 0 : i32
      %dma_start3A_42 = tpu.memref_slice %arg2[%dma_start3A_40, %dma_start3A_41] : memref<10000x256xbf16, #tpu.memory_space<hbm>> -> memref<10000x256xbf16, #tpu.memory_space<hbm>>
      tpu.enqueue_indirect_dma source(%dma_start3A_42 : memref<10000x256xbf16, #tpu.memory_space<hbm>>) target(%arg10 : memref<128x256xbf16, #tpu.memory_space<vmem>>) offsets(%dma_start3A_39 : memref<128xi32, #tpu.memory_space<vmem>>) semaphore(%arg12 : memref<!tpu.dma_semaphore, #tpu.memory_space<semaphore_mem>>)
      %dma_wait3A_43 = arith.constant 0 : i32
      %dma_wait3A_44 = tpu.memref_slice %arg7[%mul3A_30, %dma_wait3A_43] : memref<40x128xi32, #tpu.memory_space<vmem>> -> memref<1x128xi32, #tpu.memory_space<vmem>>
      %dma_wait3A_45 = tpu.memref_squeeze %dma_wait3A_44 : memref<1x128xi32, #tpu.memory_space<vmem>> -> memref<128xi32, #tpu.memory_space<vmem>>
      %dma_wait3A_46 = arith.constant 0 : i32
      %dma_wait3A_47 = arith.constant 0 : i32
      %dma_wait3A_48 = tpu.memref_slice %arg2[%dma_wait3A_46, %dma_wait3A_47] : memref<10000x256xbf16, #tpu.memory_space<hbm>> -> memref<10000x256xbf16, #tpu.memory_space<hbm>>
      tpu.wait_indirect_dma semaphore(%arg11 : memref<!tpu.dma_semaphore, #tpu.memory_space<semaphore_mem>>) src(%dma_wait3A_48 : memref<10000x256xbf16, #tpu.memory_space<hbm>>) dst(%arg9 : memref<128x256xbf16, #tpu.memory_space<vmem>>)
      %dma_start3A_49 = arith.constant 0 : i32
      %dma_start3A_50 = tpu.memref_slice %arg8[%mul3A_30, %dma_start3A_49] : memref<40x128xi32, #tpu.memory_space<vmem>> -> memref<1x128xi32, #tpu.memory_space<vmem>>
      %dma_start3A_51 = tpu.memref_squeeze %dma_start3A_50 : memref<1x128xi32, #tpu.memory_space<vmem>> -> memref<128xi32, #tpu.memory_space<vmem>>
      %dma_start3A_52 = arith.constant 0 : i32
      %dma_start3A_53 = arith.constant 0 : i32
      %dma_start3A_54 = tpu.memref_slice %arg6[%dma_start3A_52, %dma_start3A_53] : memref<10016x256xbf16, #tpu.memory_space<vmem_shared>> -> memref<10016x256xbf16, #tpu.memory_space<vmem_shared>>
      tpu.enqueue_indirect_dma source(%arg9 : memref<128x256xbf16, #tpu.memory_space<vmem>>) target(%dma_start3A_54 : memref<10016x256xbf16, #tpu.memory_space<vmem_shared>>) offsets(%dma_start3A_51 : memref<128xi32, #tpu.memory_space<vmem>>) semaphore(%arg13 : memref<!tpu.dma_semaphore, #tpu.memory_space<semaphore_mem>>) {add = true}
      %add3A_55 = arith.constant 1 : i32
      %add3A_56 = arith.addi %mul3A_30, %add3A_55 : i32
      %dma_wait3A_57 = arith.constant 0 : i32
      %dma_wait3A_58 = tpu.memref_slice %arg7[%add3A_56, %dma_wait3A_57] : memref<40x128xi32, #tpu.memory_space<vmem>> -> memref<1x128xi32, #tpu.memory_space<vmem>>
      %dma_wait3A_59 = tpu.memref_squeeze %dma_wait3A_58 : memref<1x128xi32, #tpu.memory_space<vmem>> -> memref<128xi32, #tpu.memory_space<vmem>>
      %dma_wait3A_60 = arith.constant 0 : i32
      %dma_wait3A_61 = arith.constant 0 : i32
      %dma_wait3A_62 = tpu.memref_slice %arg2[%dma_wait3A_60, %dma_wait3A_61] : memref<10000x256xbf16, #tpu.memory_space<hbm>> -> memref<10000x256xbf16, #tpu.memory_space<hbm>>
      tpu.wait_indirect_dma semaphore(%arg12 : memref<!tpu.dma_semaphore, #tpu.memory_space<semaphore_mem>>) src(%dma_wait3A_62 : memref<10000x256xbf16, #tpu.memory_space<hbm>>) dst(%arg10 : memref<128x256xbf16, #tpu.memory_space<vmem>>)
      %dma_wait3A_63 = arith.constant 0 : i32
      %dma_wait3A_64 = tpu.memref_slice %arg8[%mul3A_30, %dma_wait3A_63] : memref<40x128xi32, #tpu.memory_space<vmem>> -> memref<1x128xi32, #tpu.memory_space<vmem>>
      %dma_wait3A_65 = tpu.memref_squeeze %dma_wait3A_64 : memref<1x128xi32, #tpu.memory_space<vmem>> -> memref<128xi32, #tpu.memory_space<vmem>>
      %dma_wait3A_66 = arith.constant 0 : i32
      %dma_wait3A_67 = arith.constant 0 : i32
      %dma_wait3A_68 = tpu.memref_slice %arg6[%dma_wait3A_66, %dma_wait3A_67] : memref<10016x256xbf16, #tpu.memory_space<vmem_shared>> -> memref<10016x256xbf16, #tpu.memory_space<vmem_shared>>
      tpu.wait_indirect_dma semaphore(%arg13 : memref<!tpu.dma_semaphore, #tpu.memory_space<semaphore_mem>>) src(%arg9 : memref<128x256xbf16, #tpu.memory_space<vmem>>) dst(%dma_wait3A_68 : memref<10016x256xbf16, #tpu.memory_space<vmem_shared>>)
      %lt3A_69 = arith.constant 19 : i32
      %lt3A_70 = arith.cmpi slt, %scan3A_28, %lt3A_69 : i32
      %convert_element_type3A_71 = arith.extui %lt3A_70 : i1 to i32
      %cond3A_72 = arith.constant 0 : i32
      %cond3A_73 = arith.cmpi ne, %convert_element_type3A_71, %cond3A_72 : i32
      scf.if %cond3A_73 {
        %add3A_82 = arith.constant 2 : i32
        %add3A_83 = arith.addi %mul3A_30, %add3A_82 : i32
        %dma_start3A_84 = arith.constant 0 : i32
        %dma_start3A_85 = tpu.memref_slice %arg7[%add3A_83, %dma_start3A_84] : memref<40x128xi32, #tpu.memory_space<vmem>> -> memref<1x128xi32, #tpu.memory_space<vmem>>
        %dma_start3A_86 = tpu.memref_squeeze %dma_start3A_85 : memref<1x128xi32, #tpu.memory_space<vmem>> -> memref<128xi32, #tpu.memory_space<vmem>>
        %dma_start3A_87 = arith.constant 0 : i32
        %dma_start3A_88 = arith.constant 0 : i32
        %dma_start3A_89 = tpu.memref_slice %arg2[%dma_start3A_87, %dma_start3A_88] : memref<10000x256xbf16, #tpu.memory_space<hbm>> -> memref<10000x256xbf16, #tpu.memory_space<hbm>>
        tpu.enqueue_indirect_dma source(%dma_start3A_89 : memref<10000x256xbf16, #tpu.memory_space<hbm>>) target(%arg9 : memref<128x256xbf16, #tpu.memory_space<vmem>>) offsets(%dma_start3A_86 : memref<128xi32, #tpu.memory_space<vmem>>) semaphore(%arg11 : memref<!tpu.dma_semaphore, #tpu.memory_space<semaphore_mem>>)
      } else {
      }
      %add3A_74 = arith.constant 1 : i32
      %add3A_75 = arith.addi %mul3A_30, %add3A_74 : i32
      %dma_start3A_76 = arith.constant 0 : i32
      %dma_start3A_77 = tpu.memref_slice %arg8[%add3A_75, %dma_start3A_76] : memref<40x128xi32, #tpu.memory_space<vmem>> -> memref<1x128xi32, #tpu.memory_space<vmem>>
      %dma_start3A_78 = tpu.memref_squeeze %dma_start3A_77 : memref<1x128xi32, #tpu.memory_space<vmem>> -> memref<128xi32, #tpu.memory_space<vmem>>
      %dma_start3A_79 = arith.constant 0 : i32
      %dma_start3A_80 = arith.constant 0 : i32
      %dma_start3A_81 = tpu.memref_slice %arg6[%dma_start3A_79, %dma_start3A_80] : memref<10016x256xbf16, #tpu.memory_space<vmem_shared>> -> memref<10016x256xbf16, #tpu.memory_space<vmem_shared>>
      tpu.enqueue_indirect_dma source(%arg10 : memref<128x256xbf16, #tpu.memory_space<vmem>>) target(%dma_start3A_81 : memref<10016x256xbf16, #tpu.memory_space<vmem_shared>>) offsets(%dma_start3A_78 : memref<128xi32, #tpu.memory_space<vmem>>) semaphore(%arg14 : memref<!tpu.dma_semaphore, #tpu.memory_space<semaphore_mem>>) {add = true}
    }
    %scan3A_15 = arith.constant 20 : i32
    %dma_wait3A = arith.constant 39 : i32
    %dma_wait3A_16 = arith.constant 0 : i32
    %dma_wait3A_17 = tpu.memref_slice %arg8[%dma_wait3A, %dma_wait3A_16] : memref<40x128xi32, #tpu.memory_space<vmem>> -> memref<1x128xi32, #tpu.memory_space<vmem>>
    %dma_wait3A_18 = tpu.memref_squeeze %dma_wait3A_17 : memref<1x128xi32, #tpu.memory_space<vmem>> -> memref<128xi32, #tpu.memory_space<vmem>>
    %dma_wait3A_19 = arith.constant 0 : i32
    %dma_wait3A_20 = arith.constant 0 : i32
    %dma_wait3A_21 = tpu.memref_slice %arg6[%dma_wait3A_19, %dma_wait3A_20] : memref<10016x256xbf16, #tpu.memory_space<vmem_shared>> -> memref<10016x256xbf16, #tpu.memory_space<vmem_shared>>
    tpu.wait_indirect_dma semaphore(%arg14 : memref<!tpu.dma_semaphore, #tpu.memory_space<semaphore_mem>>) src(%arg10 : memref<128x256xbf16, #tpu.memory_space<vmem>>) dst(%dma_wait3A_21 : memref<10016x256xbf16, #tpu.memory_space<vmem_shared>>)
    %barrier3A_22 = arith.constant 0 : index
    tpu.barrier barrier_id(%barrier3A_22)
    %lt3A_23 = arith.constant 5 : i32
    %lt3A_24 = arith.cmpi slt, %arg1, %lt3A_23 : i32
    %convert_element_type3A_25 = arith.extui %lt3A_24 : i1 to i32
    %cond3A_26 = arith.constant 0 : i32
    %cond3A_27 = arith.cmpi ne, %convert_element_type3A_25, %cond3A_26 : i32
    scf.if %cond3A_27 {
      %mul3A_28 = arith.constant 2000 : i32
      %mul3A_29 = arith.muli %arg1, %mul3A_28 : i32
      %mul3A_30 = arith.constant 2000 : i32
      %mul3A_31 = arith.muli %arg1, %mul3A_30 : i32
      "tpu.region"() ({
        %run_scoped3A = tpu.sem_alloc : memref<!tpu.dma_semaphore, #tpu.memory_space<semaphore_mem>>
        %dma_start3A_32 = arith.constant 0 : i32
        %dma_start3A_33 = tpu.memref_slice %arg5[%arg0, %mul3A_31, %dma_start3A_32] : memref<2x10000x256xbf16, #tpu.memory_space<hbm>> -> memref<1x2000x256xbf16, #tpu.memory_space<hbm>>
        %dma_start3A_34 = tpu.memref_squeeze %dma_start3A_33 : memref<1x2000x256xbf16, #tpu.memory_space<hbm>> -> memref<2000x256xbf16, #tpu.memory_space<hbm>>
        %dma_start3A_35 = arith.constant 0 : i32
        %dma_start3A_36 = tpu.memref_slice %arg6[%mul3A_29, %dma_start3A_35] : memref<10016x256xbf16, #tpu.memory_space<vmem_shared>> -> memref<2000x256xbf16, #tpu.memory_space<vmem_shared>>
        tpu.enqueue_dma source(%dma_start3A_36 : memref<2000x256xbf16, #tpu.memory_space<vmem_shared>>) target(%dma_start3A_34 : memref<2000x256xbf16, #tpu.memory_space<hbm>>) target_semaphore(%run_scoped3A : memref<!tpu.dma_semaphore, #tpu.memory_space<semaphore_mem>>)
        %dma_wait3A_37 = arith.constant 0 : i32
        %dma_wait3A_38 = tpu.memref_slice %arg5[%arg0, %mul3A_31, %dma_wait3A_37] : memref<2x10000x256xbf16, #tpu.memory_space<hbm>> -> memref<1x2000x256xbf16, #tpu.memory_space<hbm>>
        %dma_wait3A_39 = tpu.memref_squeeze %dma_wait3A_38 : memref<1x2000x256xbf16, #tpu.memory_space<hbm>> -> memref<2000x256xbf16, #tpu.memory_space<hbm>>
        %dma_wait3A_40 = arith.constant 0 : i32
        %dma_wait3A_41 = tpu.memref_slice %arg6[%mul3A_29, %dma_wait3A_40] : memref<10016x256xbf16, #tpu.memory_space<vmem_shared>> -> memref<2000x256xbf16, #tpu.memory_space<vmem_shared>>
        tpu.wait_dma2 semaphore(%run_scoped3A : memref<!tpu.dma_semaphore, #tpu.memory_space<semaphore_mem>>) src(%dma_wait3A_41 : memref<2000x256xbf16, #tpu.memory_space<vmem_shared>>) dst(%dma_wait3A_39 : memref<2000x256xbf16, #tpu.memory_space<hbm>>)
        tpu.yield
      }) : () -> ()
    } else {
    }
    return
  }
}

module attributes {stable_mosaic.version = 14 : i64} {
  func.func @_first_body(%arg0: i32, %arg1: memref<2000x256xf32, #tpu.memory_space<vmem>>, %arg2: memref<256x256xf32, #tpu.memory_space<vmem>>, %arg3: memref<2000x2xf32, #tpu.memory_space<vmem>>, %arg4: memref<2000x256xbf16, #tpu.memory_space<vmem>>) attributes {dimension_semantics = [#tpu.dimension_semantics<arbitrary>], iteration_bounds = array<i64: 5>, scalar_prefetch = 0 : i64, scratch_operands = 0 : i64, tpu.core_type = #tpu.core_type<tc>, window_params = [{transform_indices = @transform_0, window_bounds = array<i64: 2000, 256>}, {pipeline_mode = #tpu.pipeline_mode<synchronous>, transform_indices = @transform_1, window_bounds = array<i64: 256, 256>}, {transform_indices = @transform_2, window_bounds = array<i64: 2000, 2>}, {transform_indices = @transform_3, window_bounds = array<i64: 2000, 256>}]} {
    %get3A = arith.constant 0 : index
    %get3A_0 = arith.constant 0 : index
    %get3A_1 = vector.load %arg1[%get3A, %get3A_0] : memref<2000x256xf32, #tpu.memory_space<vmem>>, vector<2000x256xf32>
    %get3A_2 = arith.constant 0 : index
    %get3A_3 = arith.constant 0 : index
    %get3A_4 = vector.load %arg2[%get3A_2, %get3A_3] : memref<256x256xf32, #tpu.memory_space<vmem>>, vector<256x256xf32>
    %dot_general3A = arith.constant dense<0.000000e+00> : vector<2000x256xf32>
    %dot_general3A_5 = tpu.matmul %get3A_1, %get3A_4, %dot_general3A {dimension_numbers = #tpu.dot_dimension_numbers<[1], [0], [0], [1], [0, 0, 1, 1], [], []>, transpose_lhs_hint = false} : vector<2000x256xf32>, vector<256x256xf32>, vector<2000x256xf32> -> vector<2000x256xf32>
    %get3A_6 = arith.constant 0 : index
    %get3A_7 = arith.constant 0 : index
    %get3A_8 = vector.load %arg3[%get3A_6, %get3A_7] : memref<2000x2xf32, #tpu.memory_space<vmem>>, vector<2000x1xf32>
    %get3A_9 = arith.constant 0 : index
    %get3A_10 = arith.constant 1 : index
    %get3A_11 = vector.load %arg3[%get3A_9, %get3A_10] : memref<2000x2xf32, #tpu.memory_space<vmem>>, vector<2000x1xf32>
    %add3A = arith.addf %get3A_8, %get3A_11 : vector<2000x1xf32>
    %add3A_12 = arith.constant 1.000000e+00 : f32
    %add3A_13 = vector.broadcast %add3A_12 : f32 to vector<2000x1xf32>
    %add3A_14 = arith.addf %add3A, %add3A_13 : vector<2000x1xf32>
    %rsqrt3A = math.rsqrt %add3A_14 : vector<2000x1xf32>
    %mul3A = vector.broadcast %rsqrt3A : vector<2000x1xf32> to vector<2000x256xf32>
    %mul3A_15 = arith.mulf %mul3A, %dot_general3A_5 : vector<2000x256xf32>
    %convert_element_type3A = arith.truncf %mul3A_15 : vector<2000x256xf32> to vector<2000x256xbf16>
    %swap3A = arith.constant 0 : index
    %swap3A_16 = arith.constant 0 : index
    %swap3A_17 = vector.load %arg4[%swap3A, %swap3A_16] : memref<2000x256xbf16, #tpu.memory_space<vmem>>, vector<2000x256xbf16>
    tpu.vector_store %arg4[%swap3A, %swap3A_16], %convert_element_type3A {strides = array<i32>} : memref<2000x256xbf16, #tpu.memory_space<vmem>>, vector<2000x256xbf16>,
    return
  }
  func.func @transform_0(%arg0: i32) -> (i32, i32) {
    %c0_i32 = arith.constant 0 : i32
    %c0_i32_0 = arith.constant 0 : i32
    return %arg0, %c0_i32 : i32, i32
  }
  func.func @transform_1(%arg0: i32) -> (i32, i32) {
    %c0_i32 = arith.constant 0 : i32
    %c0_i32_0 = arith.constant 0 : i32
    %c0_i32_1 = arith.constant 0 : i32
    return %c0_i32, %c0_i32_0 : i32, i32
  }
  func.func @transform_2(%arg0: i32) -> (i32, i32) {
    %c0_i32 = arith.constant 0 : i32
    %c0_i32_0 = arith.constant 0 : i32
    return %arg0, %c0_i32 : i32, i32
  }
  func.func @transform_3(%arg0: i32) -> (i32, i32) {
    %c0_i32 = arith.constant 0 : i32
    %c0_i32_0 = arith.constant 0 : i32
    return %arg0, %c0_i32 : i32, i32
  }
}

module attributes {stable_mosaic.version = 14 : i64} {
  func.func @_mid_body(%arg0: i32, %arg1: memref<2x2000x256xbf16, #tpu.memory_space<vmem>>, %arg2: memref<2000x256xbf16, #tpu.memory_space<vmem>>, %arg3: memref<256x256xf32, #tpu.memory_space<vmem>>, %arg4: memref<2000x2xf32, #tpu.memory_space<vmem>>, %arg5: memref<1x256xf32, #tpu.memory_space<vmem>>, %arg6: memref<2000x256xbf16, #tpu.memory_space<vmem>>) attributes {dimension_semantics = [#tpu.dimension_semantics<arbitrary>], iteration_bounds = array<i64: 5>, scalar_prefetch = 0 : i64, scratch_operands = 0 : i64, tpu.core_type = #tpu.core_type<tc>, window_params = [{transform_indices = @transform_0, window_bounds = array<i64: 2, 2000, 256>}, {transform_indices = @transform_1, window_bounds = array<i64: 2000, 256>}, {pipeline_mode = #tpu.pipeline_mode<synchronous>, transform_indices = @transform_2, window_bounds = array<i64: 256, 256>}, {transform_indices = @transform_3, window_bounds = array<i64: 2000, 2>}, {pipeline_mode = #tpu.pipeline_mode<synchronous>, transform_indices = @transform_4, window_bounds = array<i64: 1, 256>}, {transform_indices = @transform_5, window_bounds = array<i64: 2000, 256>}]} {
    %get3A = arith.constant 0 : index
    %get3A_0 = arith.constant 0 : index
    %get3A_1 = vector.load %arg4[%get3A, %get3A_0] : memref<2000x2xf32, #tpu.memory_space<vmem>>, vector<2000x1xf32>
    %get3A_2 = arith.constant 0 : index
    %get3A_3 = arith.constant 1 : index
    %get3A_4 = vector.load %arg4[%get3A_2, %get3A_3] : memref<2000x2xf32, #tpu.memory_space<vmem>>, vector<2000x1xf32>
    %add3A = arith.addf %get3A_1, %get3A_4 : vector<2000x1xf32>
    %add3A_5 = arith.constant 1.000000e+00 : f32
    %add3A_6 = vector.broadcast %add3A_5 : f32 to vector<2000x1xf32>
    %add3A_7 = arith.addf %add3A, %add3A_6 : vector<2000x1xf32>
    %rsqrt3A = math.rsqrt %add3A_7 : vector<2000x1xf32>
    %get3A_8 = arith.constant 0 : index
    %get3A_9 = arith.constant 0 : index
    %get3A_10 = arith.constant 0 : index
    %get3A_11 = vector.load %arg1[%get3A_8, %get3A_9, %get3A_10] : memref<2x2000x256xbf16, #tpu.memory_space<vmem>>, vector<1x2000x256xbf16>
    %get3A_12 = vector.shape_cast %get3A_11 : vector<1x2000x256xbf16> to vector<2000x256xbf16>
    %convert_element_type3A = arith.extf %get3A_12 : vector<2000x256xbf16> to vector<2000x256xf32>
    %get3A_13 = arith.constant 1 : index
    %get3A_14 = arith.constant 0 : index
    %get3A_15 = arith.constant 0 : index
    %get3A_16 = vector.load %arg1[%get3A_13, %get3A_14, %get3A_15] : memref<2x2000x256xbf16, #tpu.memory_space<vmem>>, vector<1x2000x256xbf16>
    %get3A_17 = vector.shape_cast %get3A_16 : vector<1x2000x256xbf16> to vector<2000x256xbf16>
    %convert_element_type3A_18 = arith.extf %get3A_17 : vector<2000x256xbf16> to vector<2000x256xf32>
    %add3A_19 = arith.addf %convert_element_type3A, %convert_element_type3A_18 : vector<2000x256xf32>
    %get3A_20 = arith.constant 0 : index
    %get3A_21 = arith.constant 0 : index
    %get3A_22 = vector.load %arg2[%get3A_20, %get3A_21] : memref<2000x256xbf16, #tpu.memory_space<vmem>>, vector<2000x256xbf16>
    %convert_element_type3A_23 = arith.extf %get3A_22 : vector<2000x256xbf16> to vector<2000x256xf32>
    %sub3A = arith.subf %add3A_19, %convert_element_type3A_23 : vector<2000x256xf32>
    %mul3A = vector.broadcast %rsqrt3A : vector<2000x1xf32> to vector<2000x256xf32>
    %mul3A_24 = arith.mulf %mul3A, %sub3A : vector<2000x256xf32>
    %get3A_25 = arith.constant 0 : index
    %get3A_26 = arith.constant 0 : index
    %get3A_27 = vector.load %arg5[%get3A_25, %get3A_26] : memref<1x256xf32, #tpu.memory_space<vmem>>, vector<1x256xf32>
    %add3A_28 = vector.broadcast %get3A_27 : vector<1x256xf32> to vector<2000x256xf32>
    %add3A_29 = arith.addf %mul3A_24, %add3A_28 : vector<2000x256xf32>
    %ge3A = arith.constant 0.000000e+00 : f32
    %ge3A_30 = vector.broadcast %ge3A : f32 to vector<2000x256xf32>
    %ge3A_31 = arith.cmpf oge, %add3A_29, %ge3A_30 : vector<2000x256xf32>
    %mul3A_32 = arith.constant 0.00999999977 : f32
    %mul3A_33 = vector.broadcast %mul3A_32 : f32 to vector<2000x256xf32>
    %mul3A_34 = arith.mulf %add3A_29, %mul3A_33 : vector<2000x256xf32>
    %select_n3A = arith.select %ge3A_31, %add3A_29, %mul3A_34 : vector<2000x256xi1>, vector<2000x256xf32>
    %get3A_35 = arith.constant 0 : index
    %get3A_36 = arith.constant 0 : index
    %get3A_37 = vector.load %arg3[%get3A_35, %get3A_36] : memref<256x256xf32, #tpu.memory_space<vmem>>, vector<256x256xf32>
    %dot_general3A = arith.constant dense<0.000000e+00> : vector<2000x256xf32>
    %dot_general3A_38 = tpu.matmul %select_n3A, %get3A_37, %dot_general3A {dimension_numbers = #tpu.dot_dimension_numbers<[1], [0], [0], [1], [0, 0, 1, 1], [], []>, transpose_lhs_hint = false} : vector<2000x256xf32>, vector<256x256xf32>, vector<2000x256xf32> -> vector<2000x256xf32>
    %mul3A_39 = vector.broadcast %rsqrt3A : vector<2000x1xf32> to vector<2000x256xf32>
    %mul3A_40 = arith.mulf %mul3A_39, %dot_general3A_38 : vector<2000x256xf32>
    %convert_element_type3A_41 = arith.truncf %mul3A_40 : vector<2000x256xf32> to vector<2000x256xbf16>
    %swap3A = arith.constant 0 : index
    %swap3A_42 = arith.constant 0 : index
    %swap3A_43 = vector.load %arg6[%swap3A, %swap3A_42] : memref<2000x256xbf16, #tpu.memory_space<vmem>>, vector<2000x256xbf16>
    tpu.vector_store %arg6[%swap3A, %swap3A_42], %convert_element_type3A_41 {strides = array<i32>} : memref<2000x256xbf16, #tpu.memory_space<vmem>>, vector<2000x256xbf16>,
    return
  }
  func.func @transform_0(%arg0: i32) -> (i32, i32, i32) {
    %c0_i32 = arith.constant 0 : i32
    %c0_i32_0 = arith.constant 0 : i32
    %c0_i32_1 = arith.constant 0 : i32
    return %c0_i32, %arg0, %c0_i32_0 : i32, i32, i32
  }
  func.func @transform_1(%arg0: i32) -> (i32, i32) {
    %c0_i32 = arith.constant 0 : i32
    %c0_i32_0 = arith.constant 0 : i32
    return %arg0, %c0_i32 : i32, i32
  }
  func.func @transform_2(%arg0: i32) -> (i32, i32) {
    %c0_i32 = arith.constant 0 : i32
    %c0_i32_0 = arith.constant 0 : i32
    %c0_i32_1 = arith.constant 0 : i32
    return %c0_i32, %c0_i32_0 : i32, i32
  }
  func.func @transform_3(%arg0: i32) -> (i32, i32) {
    %c0_i32 = arith.constant 0 : i32
    %c0_i32_0 = arith.constant 0 : i32
    return %arg0, %c0_i32 : i32, i32
  }
  func.func @transform_4(%arg0: i32) -> (i32, i32) {
    %c0_i32 = arith.constant 0 : i32
    %c0_i32_0 = arith.constant 0 : i32
    %c0_i32_1 = arith.constant 0 : i32
    return %c0_i32, %c0_i32_0 : i32, i32
  }
  func.func @transform_5(%arg0: i32) -> (i32, i32) {
    %c0_i32 = arith.constant 0 : i32
    %c0_i32_0 = arith.constant 0 : i32
    return %arg0, %c0_i32 : i32, i32
  }
}

module attributes {stable_mosaic.version = 14 : i64} {
  func.func @_mid_body(%arg0: i32, %arg1: memref<2x2000x256xbf16, #tpu.memory_space<vmem>>, %arg2: memref<2000x256xbf16, #tpu.memory_space<vmem>>, %arg3: memref<256x128xf32, #tpu.memory_space<vmem>>, %arg4: memref<2000x2xf32, #tpu.memory_space<vmem>>, %arg5: memref<1x256xf32, #tpu.memory_space<vmem>>, %arg6: memref<2000x128xf32, #tpu.memory_space<vmem>>) attributes {dimension_semantics = [#tpu.dimension_semantics<arbitrary>], iteration_bounds = array<i64: 5>, scalar_prefetch = 0 : i64, scratch_operands = 0 : i64, tpu.core_type = #tpu.core_type<tc>, window_params = [{transform_indices = @transform_0, window_bounds = array<i64: 2, 2000, 256>}, {transform_indices = @transform_1, window_bounds = array<i64: 2000, 256>}, {pipeline_mode = #tpu.pipeline_mode<synchronous>, transform_indices = @transform_2, window_bounds = array<i64: 256, 128>}, {transform_indices = @transform_3, window_bounds = array<i64: 2000, 2>}, {pipeline_mode = #tpu.pipeline_mode<synchronous>, transform_indices = @transform_4, window_bounds = array<i64: 1, 256>}, {transform_indices = @transform_5, window_bounds = array<i64: 2000, 128>}]} {
    %get3A = arith.constant 0 : index
    %get3A_0 = arith.constant 0 : index
    %get3A_1 = vector.load %arg4[%get3A, %get3A_0] : memref<2000x2xf32, #tpu.memory_space<vmem>>, vector<2000x1xf32>
    %get3A_2 = arith.constant 0 : index
    %get3A_3 = arith.constant 1 : index
    %get3A_4 = vector.load %arg4[%get3A_2, %get3A_3] : memref<2000x2xf32, #tpu.memory_space<vmem>>, vector<2000x1xf32>
    %add3A = arith.addf %get3A_1, %get3A_4 : vector<2000x1xf32>
    %add3A_5 = arith.constant 1.000000e+00 : f32
    %add3A_6 = vector.broadcast %add3A_5 : f32 to vector<2000x1xf32>
    %add3A_7 = arith.addf %add3A, %add3A_6 : vector<2000x1xf32>
    %rsqrt3A = math.rsqrt %add3A_7 : vector<2000x1xf32>
    %get3A_8 = arith.constant 0 : index
    %get3A_9 = arith.constant 0 : index
    %get3A_10 = arith.constant 0 : index
    %get3A_11 = vector.load %arg1[%get3A_8, %get3A_9, %get3A_10] : memref<2x2000x256xbf16, #tpu.memory_space<vmem>>, vector<1x2000x256xbf16>
    %get3A_12 = vector.shape_cast %get3A_11 : vector<1x2000x256xbf16> to vector<2000x256xbf16>
    %convert_element_type3A = arith.extf %get3A_12 : vector<2000x256xbf16> to vector<2000x256xf32>
    %get3A_13 = arith.constant 1 : index
    %get3A_14 = arith.constant 0 : index
    %get3A_15 = arith.constant 0 : index
    %get3A_16 = vector.load %arg1[%get3A_13, %get3A_14, %get3A_15] : memref<2x2000x256xbf16, #tpu.memory_space<vmem>>, vector<1x2000x256xbf16>
    %get3A_17 = vector.shape_cast %get3A_16 : vector<1x2000x256xbf16> to vector<2000x256xbf16>
    %convert_element_type3A_18 = arith.extf %get3A_17 : vector<2000x256xbf16> to vector<2000x256xf32>
    %add3A_19 = arith.addf %convert_element_type3A, %convert_element_type3A_18 : vector<2000x256xf32>
    %get3A_20 = arith.constant 0 : index
    %get3A_21 = arith.constant 0 : index
    %get3A_22 = vector.load %arg2[%get3A_20, %get3A_21] : memref<2000x256xbf16, #tpu.memory_space<vmem>>, vector<2000x256xbf16>
    %convert_element_type3A_23 = arith.extf %get3A_22 : vector<2000x256xbf16> to vector<2000x256xf32>
    %sub3A = arith.subf %add3A_19, %convert_element_type3A_23 : vector<2000x256xf32>
    %mul3A = vector.broadcast %rsqrt3A : vector<2000x1xf32> to vector<2000x256xf32>
    %mul3A_24 = arith.mulf %mul3A, %sub3A : vector<2000x256xf32>
    %get3A_25 = arith.constant 0 : index
    %get3A_26 = arith.constant 0 : index
    %get3A_27 = vector.load %arg5[%get3A_25, %get3A_26] : memref<1x256xf32, #tpu.memory_space<vmem>>, vector<1x256xf32>
    %add3A_28 = vector.broadcast %get3A_27 : vector<1x256xf32> to vector<2000x256xf32>
    %add3A_29 = arith.addf %mul3A_24, %add3A_28 : vector<2000x256xf32>
    %ge3A = arith.constant 0.000000e+00 : f32
    %ge3A_30 = vector.broadcast %ge3A : f32 to vector<2000x256xf32>
    %ge3A_31 = arith.cmpf oge, %add3A_29, %ge3A_30 : vector<2000x256xf32>
    %mul3A_32 = arith.constant 0.00999999977 : f32
    %mul3A_33 = vector.broadcast %mul3A_32 : f32 to vector<2000x256xf32>
    %mul3A_34 = arith.mulf %add3A_29, %mul3A_33 : vector<2000x256xf32>
    %select_n3A = arith.select %ge3A_31, %add3A_29, %mul3A_34 : vector<2000x256xi1>, vector<2000x256xf32>
    %get3A_35 = arith.constant 0 : index
    %get3A_36 = arith.constant 0 : index
    %get3A_37 = vector.load %arg3[%get3A_35, %get3A_36] : memref<256x128xf32, #tpu.memory_space<vmem>>, vector<256x128xf32>
    %dot_general3A = arith.constant dense<0.000000e+00> : vector<2000x128xf32>
    %dot_general3A_38 = tpu.matmul %select_n3A, %get3A_37, %dot_general3A {dimension_numbers = #tpu.dot_dimension_numbers<[1], [0], [0], [1], [0, 0, 1, 1], [], []>, transpose_lhs_hint = false} : vector<2000x256xf32>, vector<256x128xf32>, vector<2000x128xf32> -> vector<2000x128xf32>
    %mul3A_39 = vector.broadcast %rsqrt3A : vector<2000x1xf32> to vector<2000x128xf32>
    %mul3A_40 = arith.mulf %mul3A_39, %dot_general3A_38 : vector<2000x128xf32>
    %swap3A = arith.constant 0 : index
    %swap3A_41 = arith.constant 0 : index
    %swap3A_42 = vector.load %arg6[%swap3A, %swap3A_41] : memref<2000x128xf32, #tpu.memory_space<vmem>>, vector<2000x128xf32>
    tpu.vector_store %arg6[%swap3A, %swap3A_41], %mul3A_40 {strides = array<i32>} : memref<2000x128xf32, #tpu.memory_space<vmem>>, vector<2000x128xf32>,
    return
  }
  func.func @transform_0(%arg0: i32) -> (i32, i32, i32) {
    %c0_i32 = arith.constant 0 : i32
    %c0_i32_0 = arith.constant 0 : i32
    %c0_i32_1 = arith.constant 0 : i32
    return %c0_i32, %arg0, %c0_i32_0 : i32, i32, i32
  }
  func.func @transform_1(%arg0: i32) -> (i32, i32) {
    %c0_i32 = arith.constant 0 : i32
    %c0_i32_0 = arith.constant 0 : i32
    return %arg0, %c0_i32 : i32, i32
  }
  func.func @transform_2(%arg0: i32) -> (i32, i32) {
    %c0_i32 = arith.constant 0 : i32
    %c0_i32_0 = arith.constant 0 : i32
    %c0_i32_1 = arith.constant 0 : i32
    return %c0_i32, %c0_i32_0 : i32, i32
  }
  func.func @transform_3(%arg0: i32) -> (i32, i32) {
    %c0_i32 = arith.constant 0 : i32
    %c0_i32_0 = arith.constant 0 : i32
    return %arg0, %c0_i32 : i32, i32
  }
  func.func @transform_4(%arg0: i32) -> (i32, i32) {
    %c0_i32 = arith.constant 0 : i32
    %c0_i32_0 = arith.constant 0 : i32
    %c0_i32_1 = arith.constant 0 : i32
    return %c0_i32, %c0_i32_0 : i32, i32
  }
  func.func @transform_5(%arg0: i32) -> (i32, i32) {
    %c0_i32 = arith.constant 0 : i32
    %c0_i32_0 = arith.constant 0 : i32
    return %arg0, %c0_i32 : i32, i32
  }
}

module attributes {stable_mosaic.version = 14 : i64} {
  func.func @_last_body(%arg0: i32, %arg1: memref<2x2000x128xf32, #tpu.memory_space<vmem>>, %arg2: memref<2000x128xf32, #tpu.memory_space<vmem>>, %arg3: memref<2000x2xf32, #tpu.memory_space<vmem>>, %arg4: memref<1x128xf32, #tpu.memory_space<vmem>>, %arg5: memref<2000x128xf32, #tpu.memory_space<vmem>>) attributes {dimension_semantics = [#tpu.dimension_semantics<arbitrary>], iteration_bounds = array<i64: 5>, scalar_prefetch = 0 : i64, scratch_operands = 0 : i64, tpu.core_type = #tpu.core_type<tc>, window_params = [{transform_indices = @transform_0, window_bounds = array<i64: 2, 2000, 128>}, {transform_indices = @transform_1, window_bounds = array<i64: 2000, 128>}, {transform_indices = @transform_2, window_bounds = array<i64: 2000, 2>}, {pipeline_mode = #tpu.pipeline_mode<synchronous>, transform_indices = @transform_3, window_bounds = array<i64: 1, 128>}, {transform_indices = @transform_4, window_bounds = array<i64: 2000, 128>}]} {
    %get3A = arith.constant 0 : index
    %get3A_0 = arith.constant 0 : index
    %get3A_1 = arith.constant 0 : index
    %get3A_2 = vector.load %arg1[%get3A, %get3A_0, %get3A_1] : memref<2x2000x128xf32, #tpu.memory_space<vmem>>, vector<1x2000x128xf32>
    %get3A_3 = vector.shape_cast %get3A_2 : vector<1x2000x128xf32> to vector<2000x128xf32>
    %get3A_4 = arith.constant 1 : index
    %get3A_5 = arith.constant 0 : index
    %get3A_6 = arith.constant 0 : index
    %get3A_7 = vector.load %arg1[%get3A_4, %get3A_5, %get3A_6] : memref<2x2000x128xf32, #tpu.memory_space<vmem>>, vector<1x2000x128xf32>
    %get3A_8 = vector.shape_cast %get3A_7 : vector<1x2000x128xf32> to vector<2000x128xf32>
    %add3A = arith.addf %get3A_3, %get3A_8 : vector<2000x128xf32>
    %get3A_9 = arith.constant 0 : index
    %get3A_10 = arith.constant 0 : index
    %get3A_11 = vector.load %arg2[%get3A_9, %get3A_10] : memref<2000x128xf32, #tpu.memory_space<vmem>>, vector<2000x128xf32>
    %sub3A = arith.subf %add3A, %get3A_11 : vector<2000x128xf32>
    %get3A_12 = arith.constant 0 : index
    %get3A_13 = arith.constant 0 : index
    %get3A_14 = vector.load %arg3[%get3A_12, %get3A_13] : memref<2000x2xf32, #tpu.memory_space<vmem>>, vector<2000x1xf32>
    %get3A_15 = arith.constant 0 : index
    %get3A_16 = arith.constant 1 : index
    %get3A_17 = vector.load %arg3[%get3A_15, %get3A_16] : memref<2000x2xf32, #tpu.memory_space<vmem>>, vector<2000x1xf32>
    %add3A_18 = arith.addf %get3A_14, %get3A_17 : vector<2000x1xf32>
    %add3A_19 = arith.constant 1.000000e+00 : f32
    %add3A_20 = vector.broadcast %add3A_19 : f32 to vector<2000x1xf32>
    %add3A_21 = arith.addf %add3A_18, %add3A_20 : vector<2000x1xf32>
    %rsqrt3A = math.rsqrt %add3A_21 : vector<2000x1xf32>
    %mul3A = vector.broadcast %rsqrt3A : vector<2000x1xf32> to vector<2000x128xf32>
    %mul3A_22 = arith.mulf %mul3A, %sub3A : vector<2000x128xf32>
    %get3A_23 = arith.constant 0 : index
    %get3A_24 = arith.constant 0 : index
    %get3A_25 = vector.load %arg4[%get3A_23, %get3A_24] : memref<1x128xf32, #tpu.memory_space<vmem>>, vector<1x128xf32>
    %add3A_26 = vector.broadcast %get3A_25 : vector<1x128xf32> to vector<2000x128xf32>
    %add3A_27 = arith.addf %mul3A_22, %add3A_26 : vector<2000x128xf32>
    %ge3A = arith.constant 0.000000e+00 : f32
    %ge3A_28 = vector.broadcast %ge3A : f32 to vector<2000x128xf32>
    %ge3A_29 = arith.cmpf oge, %add3A_27, %ge3A_28 : vector<2000x128xf32>
    %mul3A_30 = arith.constant 0.00999999977 : f32
    %mul3A_31 = vector.broadcast %mul3A_30 : f32 to vector<2000x128xf32>
    %mul3A_32 = arith.mulf %add3A_27, %mul3A_31 : vector<2000x128xf32>
    %select_n3A = arith.select %ge3A_29, %add3A_27, %mul3A_32 : vector<2000x128xi1>, vector<2000x128xf32>
    %swap3A = arith.constant 0 : index
    %swap3A_33 = arith.constant 0 : index
    %swap3A_34 = vector.load %arg5[%swap3A, %swap3A_33] : memref<2000x128xf32, #tpu.memory_space<vmem>>, vector<2000x128xf32>
    tpu.vector_store %arg5[%swap3A, %swap3A_33], %select_n3A {strides = array<i32>} : memref<2000x128xf32, #tpu.memory_space<vmem>>, vector<2000x128xf32>,
    return
  }
  func.func @transform_0(%arg0: i32) -> (i32, i32, i32) {
    %c0_i32 = arith.constant 0 : i32
    %c0_i32_0 = arith.constant 0 : i32
    %c0_i32_1 = arith.constant 0 : i32
    return %c0_i32, %arg0, %c0_i32_0 : i32, i32, i32
  }
  func.func @transform_1(%arg0: i32) -> (i32, i32) {
    %c0_i32 = arith.constant 0 : i32
    %c0_i32_0 = arith.constant 0 : i32
    return %arg0, %c0_i32 : i32, i32
  }
  func.func @transform_2(%arg0: i32) -> (i32, i32) {
    %c0_i32 = arith.constant 0 : i32
    %c0_i32_0 = arith.constant 0 : i32
    return %arg0, %c0_i32 : i32, i32
  }
  func.func @transform_3(%arg0: i32) -> (i32, i32) {
    %c0_i32 = arith.constant 0 : i32
    %c0_i32_0 = arith.constant 0 : i32
    %c0_i32_1 = arith.constant 0 : i32
    return %c0_i32, %c0_i32_0 : i32, i32
  }
  func.func @transform_4(%arg0: i32) -> (i32, i32) {
    %c0_i32 = arith.constant 0 : i32
    %c0_i32_0 = arith.constant 0 : i32
    return %arg0, %c0_i32 : i32, i32
  }
}

</mosaic_0001>

<sc_bundles>
// kernel: kernel.10.cloned.1.call-start
scs
__scs_entry_jumppad:
0x0: {  	(pc) =	sbr.rel $0x88, $3  }
0x1: {  	(tag) =	ssettag $0x0;
	lr =	simm.s32 $0x1  }
0x2: {  	[smem:$0x3F99] =	sst lr;
	_ =	strace $0xD0000000  }
0x3: {  	_ = 	snop  }
0x4: {  	_ = 	snop  }
0x5: {  	_ = 	snop  }
0x6: {  	_ = 	snop  }
0x7: {  	_ = 	snop  }
__scs_overlays_trampoline_lowered:
0x8: {  	[smem:$0x3FA8] =	sst s0  }
0x9: {  	[smem:$0x3FA9] =	sst s1  }
0xa: {  	[smem:$0x3FAA] =	sst s2  }
0xb: {  	[smem:$0x3FAB] =	sst s3  }
0xc: {  	[smem:$0x3FAC] =	sst s4  }
0xd: {  	[smem:$0x3FAD] =	sst s5  }
0xe: {  	[smem:$0x3FAE] =	sst s6  }
0xf: {  	[smem:$0x3FAF] =	sst s7  }
0x10: {  	[smem:$0x3FB0] =	sst s8  }
0x11: {  	[smem:$0x3FB1] =	sst s9;
	s0 =	simm.s32 @!p0 $0x0  }
0x12: {  	s1 =	sld [smem:$0x3F97];
	s0 =	simm.s32 @p0 $0x1  }
0x13: {  	[smem:$0x3FB2] =	sst s0;
	s0 =	simm.s32 @!p1 $0x0  }
0x14: {  	s2 =	sld [smem:$0x3F96];
	s0 =	simm.s32 @p1 $0x1  }
0x15: {  	[smem:$0x3FB3] =	sst s0;
	s0 =	simm.s32 @!p2 $0x0  }
0x16: {  	s3 =	sld [smem:$0x3FDB];
	s0 =	simm.s32 @p2 $0x1  }
0x17: {  	s4 =	simm.s32 $0x1BF5;
	[smem:$0x3FB5] =	sst s0  }
0x18: {  	s0 =	sld [smem:$0x3F98];
	_ =	swait.ge [sflag:s4], $0x0  }
0x19: {  	s7 =	sld [smem:$0x3F99]  }
0x1a: {  	s8 =	sadd.s32 $0xFFFFE003, lr  }
0x1b: {  	s9 =	sadd.s32 $0xFFFFFEF7, lr;
	s5 =	simm.s32 $0xFFFFFFFF;
	p2 =	slt.u32 s8, $0xFFFFF086  }
0x1c: {  	p1 =	slt.u32 s9, $0xF7A;
	s5 =	simm.s32 @!p2 $0x0  }
0x1d: {  	s5 =	simm.s32 @p1 $0x1;
	p0 =	seq.s32 s7, s2  }
0x1e: {  	s7 =	smul.u32 @!p0 $0xF7A, s2;
	p2 =	seq.s32 @!p0 s5, $0x0  }
0x1f: {  	s9 =	smul.u32 $0xF7A, s1;
	s8 =	simm.s32 @!p0 $0x1BF5;
	p2 =	por !p2, p0  }
0x20: {  	[sflag:s8] =	ssyncset.s32 @!p0 $0xFFFFF086;
	s6 =	sadd.s32 @!p0 s3, s7;
	s7 =	simm.s32 @!p0 $0x108  }
0x21: {  	s3 =	sadd.s32 s3, s9;
	s6 =	sadd.s32 @!p0 $0x88, s6;
	s7 =	simm.s32 @p2 $0x1082  }
0x22: {  	[simem:s7], [sflag:s8] =	dma.local @!p0 [hbm:s6], $0xF7A  }
0x23: {  	s9 =	sor.u32 $0xD0000000, s2;
	s6 =	simm.s32 $0x108;
	_ =	swait.ge @!p0 [sflag:s8], $0x0  }
0x24: {  	s3 =	sadd.s32 $0x88, s3;
	s6 =	simm.s32 @!p1 $0x1082;
	[sflag:s4] =	ssyncset.s32 $0xFFFFF086  }
0x25: {  	[simem:s6], [sflag:s4] =	dma.local [hbm:s3], $0xF7A  }
0x26: {  	[smem:$0x3F99] =	sst s1;
	(tag) =	ssettag s2;
	_ =	strace s9  }
0x27: {  	s1 =	sld [smem:$0x3FA9]  }
0x28: {  	s2 =	sld [smem:$0x3FAA]  }
0x29: {  	s4 =	sld [smem:$0x3FAC]  }
0x2a: {  	p0 =	seq.s32 s5, $0x0;
	s5 =	sld [smem:$0x3FAD]  }
0x2b: {  	s6 =	sld [smem:$0x3FAE]  }
0x2c: {  	s7 =	sld [smem:$0x3FAF]  }
0x2d: {  	s3 =	simm.s32 $0x108;
	s8 =	sld [smem:$0x3FB0]  }
0x2e: {  	s3 =	simm.s32 @!p0 $0x1082;
	s9 =	sld [smem:$0x3FB1]  }
0x2f: {  	lr =	sadd.s32 s0, s3;
	s0 =	sld [smem:$0x3FA8]  }
0x30: {  	s3 =	sld [smem:$0x3FAB]  }
0x31: {  	[smem:$0x3FB4] =	sst s10  }
0x32: {  	s10 =	sld [smem:$0x3FB2];
	_ =	sdelay $0x3  }
0x33: {  	p0 =	seq.s32 s10, $0x1;
	s10 =	sld [smem:$0x3FB4];
	_ =	sdelay $0x3  }
0x34: {  	[smem:$0x3FB4] =	sst s10  }
0x35: {  	s10 =	sld [smem:$0x3FB3];
	_ =	sdelay $0x3  }
0x36: {  	p1 =	seq.s32 s10, $0x1;
	s10 =	sld [smem:$0x3FB4];
	_ =	sdelay $0x3  }
0x37: {  	[smem:$0x3FB4] =	sst s10  }
0x38: {  	s10 =	sld [smem:$0x3FB5]  }
0x39: {  	_ = 	snop;
	(pc) =	sbr.ind lr, $3  }
0x3a: {  	_ = 	snop  }
0x3b: {  	_ = 	snop  }
0x3c: {  	p2 =	seq.s32 s10, $0x1;
	s10 =	sld [smem:$0x3FB4]  }
0x3d: {  	_ =	shalt  }
0x3e: {  	_ =	shalt  }
0x3f: {  	_ =	shalt  }
0x40: {  	_ =	shalt  }
0x41: {  	_ =	shalt  }
0x42: {  	_ =	shalt  }
0x43: {  	_ =	shalt  }
0x44: {  	_ =	shalt  }
0x45: {  	_ =	shalt  }
0x46: {  	_ =	shalt  }
0x47: {  	_ =	shalt  }
0x48: {  	_ =	shalt  }
0x49: {  	_ =	shalt  }
0x4a: {  	_ =	shalt  }
0x4b: {  	_ =	shalt  }
0x4c: {  	_ =	shalt  }
0x4d: {  	_ =	shalt  }
0x4e: {  	_ =	shalt  }
0x4f: {  	_ =	shalt  }
0x50: {  	_ =	shalt  }
0x51: {  	_ =	shalt  }
0x52: {  	_ =	shalt  }
0x53: {  	_ =	shalt  }
0x54: {  	_ =	shalt  }
0x55: {  	_ =	shalt  }
0x56: {  	_ =	shalt  }
0x57: {  	_ =	shalt  }
0x58: {  	_ =	shalt  }
0x59: {  	_ =	shalt  }
0x5a: {  	_ =	shalt  }
0x5b: {  	_ =	shalt  }
0x5c: {  	_ =	shalt  }
0x5d: {  	_ =	shalt  }
0x5e: {  	_ =	shalt  }
0x5f: {  	_ =	shalt  }
0x60: {  	_ =	shalt  }
0x61: {  	_ =	shalt  }
0x62: {  	_ =	shalt  }
0x63: {  	_ =	shalt  }
0x64: {  	_ =	shalt  }
0x65: {  	_ =	shalt  }
0x66: {  	_ =	shalt  }
0x67: {  	_ =	shalt  }
0x68: {  	_ =	shalt  }
0x69: {  	_ =	shalt  }
0x6a: {  	_ =	shalt  }
0x6b: {  	_ =	shalt  }
0x6c: {  	_ =	shalt  }
0x6d: {  	_ =	shalt  }
0x6e: {  	_ =	shalt  }
0x6f: {  	_ =	shalt  }
0x70: {  	_ =	shalt  }
0x71: {  	_ =	shalt  }
0x72: {  	_ =	shalt  }
0x73: {  	_ =	shalt  }
0x74: {  	_ =	shalt  }
0x75: {  	_ =	shalt  }
0x76: {  	_ =	shalt  }
0x77: {  	_ =	shalt  }
0x78: {  	_ =	shalt  }
0x79: {  	_ =	shalt  }
0x7a: {  	_ =	shalt  }
0x7b: {  	_ =	shalt  }
0x7c: {  	_ =	shalt  }
0x7d: {  	_ =	shalt  }
0x7e: {  	_ =	shalt  }
0x7f: {  	_ =	shalt  }
0x80: {  	_ =	shalt  }
0x81: {  	_ =	shalt  }
0x82: {  	_ =	shalt  }
0x83: {  	_ =	shalt  }
0x84: {  	_ =	shalt  }
0x85: {  	_ =	shalt  }
0x86: {  	_ =	shalt  }
0x87: {  	_ =	shalt  }
.Lfunc_end0:
.L_simem_size_0:
called_computation_lowered:
.L_overlay_start_0:
0x88: {  	s2 =	sld [smem:$0x3FD9]  }
0x89: {  	s3 =	sld [smem:$0x3FFE];
	_ =	sdelay $0x1  }
0x8a: {  	s1 =	srdreg.scid  }
0x8b: {  	s0 =	sand.u32 $0x1, s1  }
0x8c: {  	s17 =	sshll.u32 s0, $0xA;
	s2 =	sadd.s32 s3, s2  }
0x8d: {  	s2 =	sadd.s32 s2, s17  }
0x8e: {  	[smem:$0x3FC0] =	sst s2  }
0x8f: {  	_ = 	snop  }
0x90: {  	s2 =	sld [smem:$0x3FD0];
	(tm) =	ssettm $0x1  }
0x91: {  	s18 =	sld [smem:$0x3FFB];
	_ =	sdelay $0x3  }
0x92: {  	_ =	strace s18  }
0x93: {  	s3 =	sld [smem:$0x3FFC];
	_ =	sdelay $0x3  }
0x94: {  	_ =	strace s3  }
0x95: {  	s3 =	sld [smem:$0x3FFD];
	_ =	sdelay $0x3  }
0x96: {  	_ =	strace s3  }
0x97: {  	_ =	strace $0x8FFFFFFF  }
0x98: {  	s19 =	sld [smem:$0x3FDB];
	_ =	sdelay $0x1  }
0x99: {  	s4 =	simm.s32 $_scs_section_size  }
0x9a: {  	s5 =	simm.s32 $_size__tile_overlayer_lowered;
	s6 =	simm.s32 $_tile_overlayer_lowered  }
0x9b: {  	s22 =	simm.s32 $0x1BFF;
	s21 =	sshll.u32 s6, $0x1;
	s3 =	sadd.s32 s4, s19  }
0x9c: {  	s7 =	simm.s32 $0x0;
	s20 =	sshll.u32 s5, $0x1;
	s5 =	sadd.s32 s21, s3  }
0x9d: {  	[timem:s7], [sflag:s22] =	dma.local [hbm:s5], s20  }
0x9e: {  	_ =	swait.ge [sflag:s22], s20  }
0x9f: {  	s4 =	ssub.s32 $0x0, s20;
	[sflag:s22] =	ssyncset.done $0x0  }
0xa0: {  	[sflag:s22] =	ssyncadd.s32 s4;
	_ =	sdelay $0x1  }
0xa1: {  	s23 =	simm.s32 $0x1B8B  }
0xa2: {  	_ =	swait.ge [sflag:s23], $0x1  }
0xa3: {  	[sflag:s23] =	ssyncset.done $0x0  }
0xa4: {  	s25 =	simm.s32 $0x1B8E;
	s24 =	sld [smem:$0x3FFE];
	[sflag:s23] =	ssyncadd.s32 $0xFFFFFFFF  }
0xa5: {  	s26 =	simm.s32 $execute0_lowered;
	[smem:$0x3FD2] =	sst s25  }
0xa6: {  	s5 =	sshll.u32 s26, $0x1;
	_ =	strace $0x80000046;
	[dreg:$0x1] =	wrdreg $0xFFFFFFFF  }
0xa7: {  	s28 =	simm.s32 $_size_execute0_lowered;
	s3 =	sadd.s32 s3, s5;
	[dreg:$0x0] =	wrdreg $0x0  }
0xa8: {  	s5 =	sshll.u32 s28, $0x1;
	[dreg:$0x2] =	wrdreg s3  }
0xa9: {  	[dreg:$0x3] =	wrdreg s5  }
0xaa: {  	[dreg:$0x4] =	wrdreg $0xC0  }
0xab: {  	_ =	task [dreg:s7], $0x5FFFF  }
0xac: {  	[dreg:$0x1] =	wrdreg $0xFFFFFFFF  }
0xad: {  	[dreg:$0x0] =	wrdreg $0x60  }
0xae: {  	[dreg:$0x2] =	wrdreg s24  }
0xaf: {  	[dreg:$0x3] =	wrdreg s2  }
0xb0: {  	[dreg:$0x4] =	wrdreg $0x0  }
0xb1: {  	[dreg:$0x5] =	wrdreg $0x9  }
0xb2: {  	_ =	task.clear_ibuf [dreg:s7], $0x6FFFF;
	_ =	strace $0x90000046  }
0xb3: {  	s29 =	simm.s32 $0x9;
	_ =	strace $0x80000048  }
0xb4: {  	_ =	swait.ge [sflag:s29], $0x1  }
0xb5: {  	[sflag:s29] =	ssyncadd.s32 $0xFFFFFFFF  }
0xb6: {  	_ =	strace $0x90000048  }
0xb7: {  	_ =	sfence  }
0xb8: {  	s30 =	sld [smem:$0x0];
	_ =	sdelay $0x2  }
0xb9: {  	s31 =	sshll.u32 s1, $0xD;
	s1 =	sshrl.u32 s1, $0x2  }
0xba: {  	s3 =	sand.u32 $0x4000, s31;
	s1 =	sadd.s32 s1, s30  }
0xbb: {  	s0 =	sor.u32 s3, s0;
	s1 =	sshll.u32 s1, $0x11  }
0xbc: {  	s0 =	sor.u32 s1, s0  }
0xbd: {  	s0 =	sadd.s32 $0x8F2B, s0  }
0xbe: {  	[sflag:s0] =	ssyncadd.remote.s32 $0x1  }
0xbf: {  	_ =	sfence.sel $0xFFFF  }
0xc0: {  	[dreg:$0x0] =	wrdreg $0xFFFFFFFF;
	(pc) =	sbr.abs _section_cstart, $3  }
0xc1: {  	[dreg:$0x1] =	wrdreg $0xFFFFFFFF  }
0xc2: {  	_ =	task.clear_ibuf [dreg:s7], $0x2FFFF;
	_ =	strace $0x9FFFFFFF  }
0xc3: {  	(tm) =	ssettm $0x7FFFFFFF  }
tec
execute0_lowered:
.L_overlay_start_1:
0x0: {  	(tag) =	ssettag $0x1  }
0x1: {  	s4 =	rddreg [dreg:$0x0]  }
0x2: {  	s7 =	rddreg [dreg:$0x1]  }
0x3: {  	s1 =	rddreg [dreg:$0x2]  }
0x4: {  	s2 =	srdreg.scid;
	s0 =	rddreg [dreg:$0x3];
	s3 =	simm.s32 $0x0  }
0x5: {  	s13 =	simm.s32 $0x300;
	s14 =	simm.s32 $0x80;
	s15 =	simm.s32 $0x380  }
0x6: {  	s16 =	simm.s32 $0x1;
	s17 =	simm.s32 $0x400;
	s18 =	simm.s32 $0x2  }
0x7: {  	s19 =	simm.s32 $0x480;
	s5 =	sand.u32 $0x1, s2;
	s2 =	stileid.u32  }
0x8: {  	s20 =	simm.s32 $0x0;
	[smem:$0x7FF] =	sst s3;
	s6 =	smul.u32 $0x2800, s5  }
0x9: {  	s8 =	smul.u32 $0x280, s2;
	_ =	strace $0x80000047;
	s9 =	sshll.u32 s2, $0x7  }
0xa: {  	s5 =	ssub.s32 $0x2, s5;
	s11 =	sshll.u32 s2, $0xA;
	p0 =	sgt.u32 s2, $0x9  }
0xb: {  	s9 =	sadd.s32 s9, s4;
	s10 =	sshrl.u32 s5, $0x1;
	s12 =	sadd.s32 s11, s1  }
0xc: {  	s8 =	sadd.s32 s8, s6;
	s10 =	ssub.s32 s5, s10;
	s5 =	sadd.s32 $0xC000, s9  }
0xd: {  	s30 =	sadd.s32 s11, s6;
	s9 =	sshll.u32 @!p0 s2, $0x6;
	s11 =	simm.s32 $0x280  }
0xe: {  	s8 =	sadd.s32 s8, s4;
	s4 =	sadd.s32 $0xBE00, s4;
	s31 =	sshrl.u32 s30, $0x3  }
0xf: {  	s9 =	sor.u32 @!p0 $0x1C03, s9;
	s6 =	sadd.s32 $0x1E00, s8;
	s7 =	sadd.s32 s7, s31  }
0x10: {  	s8 =	smax.u32 s10, $0x1;
	s10 =	sshrl.u32 @!p0 s12, $0x3;
	s12 =	simm.s32 $0x3  }
.LBB2_1:
0x11: {  	[spmem:s10], [sflag:s9] =	dma.local @!p0 [hbm:s5], $0x80  }
0x12: {  	s21 =	simm.s32 @!p0 $0x3  }
0x13: {  	_ =	swait.ge @!p0 [sflag:s21], $0x80  }
0x14: {  	[sflag:s21] =	ssyncset.done @!p0 $0x0  }
0x15: {  	[sflag:s21] =	ssyncadd.s32 @!p0 $0xFFFFFF80  }
0x16: {  	[tilespmem:s11], [sflag:$0x3] =	stream.linear.gather [hbm4b:s4+s3], $0x80, $0x38;
	[tilespmem:$0x1700] =	vst v63  }
0x17: {  	_ =	swait.ge [sflag:s12], $0x80  }
0x18: {  	[sflag:s12] =	ssyncset.done $0x0  }
0x19: {  	[sflag:s12] =	ssyncadd.s32 $0xFFFFFF80  }
0x1a: {  	[tilespmem:s13], [sflag:$0x3] =	stream.linear.gather [hbm4b:s6+s3], $0x1400, $0x38;
	[tilespmem:$0x1700] =	vst v63  }
0x1b: {  	_ =	swait.ge [sflag:s12], $0x1400  }
0x1c: {  	[sflag:s12] =	ssyncset.done $0x0  }
0x1d: {  	[sflag:s12] =	ssyncadd.s32 $0xFFFFEC00  }
0x1e: {  	[bflag:$0x0] =	sbarrier.arrive $0xFFFF  }
0x1f: {  	[spmem:s1] =	stream.indirect.scatter.add.f32 [tilespmem:s11], [sflag:$0x1], $0x1, s13, s14, $0xb8;
	[tilespmem:$0x1700] =	vst v63  }
0x20: {  	_ = 	snop  }
0x21: {  	[spmem:s1] =	stream.indirect.scatter.add.f32 [tilespmem:s11], [sflag:$0x2], $0x1, s15, s14, $0xb8;
	[tilespmem:$0x1700] =	vst v63  }
0x22: {  	_ =	swait.ge [sflag:s16], $0x80  }
0x23: {  	[sflag:s16] =	ssyncset.done $0x0  }
0x24: {  	[sflag:s16] =	ssyncadd.s32 $0xFFFFFF80  }
0x25: {  	[spmem:s1] =	stream.indirect.scatter.add.f32 [tilespmem:s11], [sflag:$0x1], $0x1, s17, s14, $0xb8;
	[tilespmem:$0x1700] =	vst v63  }
0x26: {  	_ =	swait.ge [sflag:s18], $0x80  }
0x27: {  	[sflag:s18] =	ssyncset.done $0x0  }
0x28: {  	[sflag:s18] =	ssyncadd.s32 $0xFFFFFF80  }
0x29: {  	[spmem:s1] =	stream.indirect.scatter.add.f32 [tilespmem:s11], [sflag:$0x2], $0x1, s19, s14, $0xb8;
	[tilespmem:$0x1700] =	vst v63  }
0x2a: {  	_ =	swait.ge [sflag:s16], $0x80  }
0x2b: {  	[sflag:s16] =	ssyncset.done $0x0  }
0x2c: {  	s30 =	simm.s32 $0x500;
	[sflag:s16] =	ssyncadd.s32 $0xFFFFFF80  }
0x2d: {  	[spmem:s1] =	stream.indirect.scatter.add.f32 [tilespmem:s11], [sflag:$0x1], $0x1, s30, s14, $0xb8;
	[tilespmem:$0x1700] =	vst v63  }
0x2e: {  	_ =	swait.ge [sflag:s18], $0x80  }
0x2f: {  	[sflag:s18] =	ssyncset.done $0x0  }
0x30: {  	s31 =	simm.s32 $0x580;
	[sflag:s18] =	ssyncadd.s32 $0xFFFFFF80  }
0x31: {  	[spmem:s1] =	stream.indirect.scatter.add.f32 [tilespmem:s11], [sflag:$0x2], $0x1, s31, s14, $0xb8;
	[tilespmem:$0x1700] =	vst v63  }
0x32: {  	_ =	swait.ge [sflag:s16], $0x80  }
0x33: {  	s22 =	simm.s32 $0xFFFFC000;
	s21 =	simm.s32 $0xFFFFEF00;
	[sflag:s16] =	ssyncset.done $0x0  }
.LBB2_2:
0x34: {  	s23 =	sadd.s32 $0x1700, s21  }
0x35: {  	[sflag:s16] =	ssyncadd.s32 $0xFFFFFF80;
	s24 =	smov.u32 s22;
	s25 =	sadd.s32 $0x400, s22  }
0x36: {  	[spmem:s1] =	stream.indirect.scatter.add.f32 [tilespmem:s11], [sflag:$0x1], $0x1, s23, s14, $0xb8;
	[tilespmem:$0x1700] =	vst v63  }
0x37: {  	p1 =	sne.s32 s22, $0xFFFFFC00;
	_ =	swait.ge [sflag:s18], $0x80  }
.Ltmp0:
0x38: {  	[sflag:s18] =	ssyncset.done $0x0;
	(pc) =	sbr.rel @p1 .LBB2_2-.Ltmp0, $4  }
0x39: {  	s21 =	sadd.s32 $0x1780, s21;
	[sflag:s18] =	ssyncadd.s32 $0xFFFFFF80  }
0x3a: {  	[spmem:s1] =	stream.indirect.scatter.add.f32 [tilespmem:s11], [sflag:$0x2], $0x1, s21, s14, $0xb8;
	[tilespmem:$0x1700] =	vst v63  }
0x3b: {  	_ =	swait.ge [sflag:s16], $0x80  }
0x3c: {  	s22 =	smov.u32 s25;
	s21 =	sshra.s32 s24, $0x2;
	[sflag:s16] =	ssyncset.done $0x0  }
0x3d: {  	s22 =	sadd.s32 $0x1700, s21;
	[sflag:s16] =	ssyncadd.s32 $0xFFFFFF80  }
0x3e: {  	[spmem:s1] =	stream.indirect.scatter.add.f32 [tilespmem:s11], [sflag:$0x1], $0x1, s22, s14, $0xb8;
	[tilespmem:$0x1700] =	vst v63  }
0x3f: {  	_ =	swait.ge [sflag:s18], $0x80  }
0x40: {  	[sflag:s18] =	ssyncset.done $0x0  }
0x41: {  	s31 =	sadd.s32 $0x1780, s21;
	[sflag:s18] =	ssyncadd.s32 $0xFFFFFF80  }
0x42: {  	[spmem:s1] =	stream.indirect.scatter.add.f32 [tilespmem:s11], [sflag:$0x2], $0x1, s31, s14, $0xb8;
	[tilespmem:$0x1700] =	vst v63  }
0x43: {  	_ =	swait.ge [sflag:s16], $0x80  }
0x44: {  	[sflag:s16] =	ssyncset.done $0x0  }
0x45: {  	[sflag:s16] =	ssyncadd.s32 $0xFFFFFF80  }
0x46: {  	_ =	swait.ge [sflag:s18], $0x80  }
0x47: {  	s20 =	sadd.s32 $0x1, s20;
	[sflag:s18] =	ssyncset.done $0x0  }
0x48: {  	p1 =	sne.s32 s20, s8;
	[sflag:s18] =	ssyncadd.s32 $0xFFFFFF80  }
.Ltmp1:
0x49: {  	s21 =	simm.s32 @!p0 $0x3;
	[bflag:$0x0] =	sbarrier.arrive $0xFFFF;
	(pc) =	sbr.rel @p1 .LBB2_1-.Ltmp1, $4  }
0x4a: {  	[hbm:s7], [sflag:s9] =	dma.local @!p0 [spmem:s10], $0x80  }
0x4b: {  	_ =	swait.ge @!p0 [sflag:s21], $0x80  }
0x4c: {  	[sflag:s21] =	ssyncset.done @!p0 $0x0  }
0x4d: {  	[sflag:s21] =	ssyncadd.s32 @!p0 $0xFFFFFF80  }
0x4e: {  	_ =	sfence.sel $0x180000  }
0x4f: {  	[bflag:$0x0] =	sbarrier.arrive $0xFFFF  }
0x50: {  	p0 =	sne.s32 s2, $0x0;
	_ =	strace $0x90000047  }
0x51: {  	s0 =	sadd.s32 @!p0 $0x100000, s0;
	[bflag:$0x2] =	sbarrier.arrive $0xFFFF  }
0x52: {  	[sflag:s0] =	ssyncadd.tile.s32 @!p0 $0x1;
	_ =	shalt  }
.Lfunc_end2:
_tile_overlayer_lowered:
.L_overlay_start_2:
0x53: {  	(tag) =	ssettag $0x2  }
0x54: {  	s0 =	rddreg [dreg:$0x0];
	s2 =	stileid.u32  }
0x55: {  	s1 =	rddreg [dreg:$0x1];
	p0 =	sne.s32 s2, $0x0  }
0x56: {  	s3 =	rddreg [dreg:$0x2];
	[bflag:$0x3] =	sbarrier.arrive $0xFFFF;
	s2 =	simm.s32 @!p0 $0x1C03  }
0x57: {  	[timem:s3], [sflag:s2] =	dma.local @!p0 [hbm:s0], s1  }
0x58: {  	s0 =	simm.s32 @!p0 $0x3  }
0x59: {  	_ =	swait.ge @!p0 [sflag:s0], s1  }
0x5a: {  	s1 =	ssub.s32 @!p0 $0x0, s1;
	[sflag:s0] =	ssyncset.done @!p0 $0x0  }
0x5b: {  	[sflag:s0] =	ssyncadd.s32 @!p0 s1  }
0x5c: {  	[bflag:$0x3] =	sbarrier.arrive $0xFFFF  }
0x5d: {  	_ =	shalt  }

// kernel: kernel.13.cloned.1.call-start
scs
__scs_entry_jumppad:
0x0: {  	(pc) =	sbr.rel $0x88, $3  }
0x1: {  	(tag) =	ssettag $0x0;
	lr =	simm.s32 $0x1  }
0x2: {  	[smem:$0x3F99] =	sst lr;
	_ =	strace $0xD0000000  }
0x3: {  	_ = 	snop  }
0x4: {  	_ = 	snop  }
0x5: {  	_ = 	snop  }
0x6: {  	_ = 	snop  }
0x7: {  	_ = 	snop  }
__scs_overlays_trampoline_lowered:
0x8: {  	[smem:$0x3FA8] =	sst s0  }
0x9: {  	[smem:$0x3FA9] =	sst s1  }
0xa: {  	[smem:$0x3FAA] =	sst s2  }
0xb: {  	[smem:$0x3FAB] =	sst s3  }
0xc: {  	[smem:$0x3FAC] =	sst s4  }
0xd: {  	[smem:$0x3FAD] =	sst s5  }
0xe: {  	[smem:$0x3FAE] =	sst s6  }
0xf: {  	[smem:$0x3FAF] =	sst s7  }
0x10: {  	[smem:$0x3FB0] =	sst s8  }
0x11: {  	[smem:$0x3FB1] =	sst s9;
	s0 =	simm.s32 @!p0 $0x0  }
0x12: {  	s1 =	sld [smem:$0x3F97];
	s0 =	simm.s32 @p0 $0x1  }
0x13: {  	[smem:$0x3FB2] =	sst s0;
	s0 =	simm.s32 @!p1 $0x0  }
0x14: {  	s2 =	sld [smem:$0x3F96];
	s0 =	simm.s32 @p1 $0x1  }
0x15: {  	[smem:$0x3FB3] =	sst s0;
	s0 =	simm.s32 @!p2 $0x0  }
0x16: {  	s3 =	sld [smem:$0x3FDB];
	s0 =	simm.s32 @p2 $0x1  }
0x17: {  	s4 =	simm.s32 $0x1BF5;
	[smem:$0x3FB5] =	sst s0  }
0x18: {  	s0 =	sld [smem:$0x3F98];
	_ =	swait.ge [sflag:s4], $0x0  }
0x19: {  	s7 =	sld [smem:$0x3F99]  }
0x1a: {  	s8 =	sadd.s32 $0xFFFFE003, lr  }
0x1b: {  	s9 =	sadd.s32 $0xFFFFFEF7, lr;
	s5 =	simm.s32 $0xFFFFFFFF;
	p2 =	slt.u32 s8, $0xFFFFF086  }
0x1c: {  	p1 =	slt.u32 s9, $0xF7A;
	s5 =	simm.s32 @!p2 $0x0  }
0x1d: {  	s5 =	simm.s32 @p1 $0x1;
	p0 =	seq.s32 s7, s2  }
0x1e: {  	s7 =	smul.u32 @!p0 $0xF7A, s2;
	p2 =	seq.s32 @!p0 s5, $0x0  }
0x1f: {  	s9 =	smul.u32 $0xF7A, s1;
	s8 =	simm.s32 @!p0 $0x1BF5;
	p2 =	por !p2, p0  }
0x20: {  	[sflag:s8] =	ssyncset.s32 @!p0 $0xFFFFF086;
	s6 =	sadd.s32 @!p0 s3, s7;
	s7 =	simm.s32 @!p0 $0x108  }
0x21: {  	s3 =	sadd.s32 s3, s9;
	s6 =	sadd.s32 @!p0 $0x88, s6;
	s7 =	simm.s32 @p2 $0x1082  }
0x22: {  	[simem:s7], [sflag:s8] =	dma.local @!p0 [hbm:s6], $0xF7A  }
0x23: {  	s9 =	sor.u32 $0xD0000000, s2;
	s6 =	simm.s32 $0x108;
	_ =	swait.ge @!p0 [sflag:s8], $0x0  }
0x24: {  	s3 =	sadd.s32 $0x88, s3;
	s6 =	simm.s32 @!p1 $0x1082;
	[sflag:s4] =	ssyncset.s32 $0xFFFFF086  }
0x25: {  	[simem:s6], [sflag:s4] =	dma.local [hbm:s3], $0xF7A  }
0x26: {  	[smem:$0x3F99] =	sst s1;
	(tag) =	ssettag s2;
	_ =	strace s9  }
0x27: {  	s1 =	sld [smem:$0x3FA9]  }
0x28: {  	s2 =	sld [smem:$0x3FAA]  }
0x29: {  	s4 =	sld [smem:$0x3FAC]  }
0x2a: {  	p0 =	seq.s32 s5, $0x0;
	s5 =	sld [smem:$0x3FAD]  }
0x2b: {  	s6 =	sld [smem:$0x3FAE]  }
0x2c: {  	s7 =	sld [smem:$0x3FAF]  }
0x2d: {  	s3 =	simm.s32 $0x108;
	s8 =	sld [smem:$0x3FB0]  }
0x2e: {  	s3 =	simm.s32 @!p0 $0x1082;
	s9 =	sld [smem:$0x3FB1]  }
0x2f: {  	lr =	sadd.s32 s0, s3;
	s0 =	sld [smem:$0x3FA8]  }
0x30: {  	s3 =	sld [smem:$0x3FAB]  }
0x31: {  	[smem:$0x3FB4] =	sst s10  }
0x32: {  	s10 =	sld [smem:$0x3FB2];
	_ =	sdelay $0x3  }
0x33: {  	p0 =	seq.s32 s10, $0x1;
	s10 =	sld [smem:$0x3FB4];
	_ =	sdelay $0x3  }
0x34: {  	[smem:$0x3FB4] =	sst s10  }
0x35: {  	s10 =	sld [smem:$0x3FB3];
	_ =	sdelay $0x3  }
0x36: {  	p1 =	seq.s32 s10, $0x1;
	s10 =	sld [smem:$0x3FB4];
	_ =	sdelay $0x3  }
0x37: {  	[smem:$0x3FB4] =	sst s10  }
0x38: {  	s10 =	sld [smem:$0x3FB5]  }
0x39: {  	_ = 	snop;
	(pc) =	sbr.ind lr, $3  }
0x3a: {  	_ = 	snop  }
0x3b: {  	_ = 	snop  }
0x3c: {  	p2 =	seq.s32 s10, $0x1;
	s10 =	sld [smem:$0x3FB4]  }
0x3d: {  	_ =	shalt  }
0x3e: {  	_ =	shalt  }
0x3f: {  	_ =	shalt  }
0x40: {  	_ =	shalt  }
0x41: {  	_ =	shalt  }
0x42: {  	_ =	shalt  }
0x43: {  	_ =	shalt  }
0x44: {  	_ =	shalt  }
0x45: {  	_ =	shalt  }
0x46: {  	_ =	shalt  }
0x47: {  	_ =	shalt  }
0x48: {  	_ =	shalt  }
0x49: {  	_ =	shalt  }
0x4a: {  	_ =	shalt  }
0x4b: {  	_ =	shalt  }
0x4c: {  	_ =	shalt  }
0x4d: {  	_ =	shalt  }
0x4e: {  	_ =	shalt  }
0x4f: {  	_ =	shalt  }
0x50: {  	_ =	shalt  }
0x51: {  	_ =	shalt  }
0x52: {  	_ =	shalt  }
0x53: {  	_ =	shalt  }
0x54: {  	_ =	shalt  }
0x55: {  	_ =	shalt  }
0x56: {  	_ =	shalt  }
0x57: {  	_ =	shalt  }
0x58: {  	_ =	shalt  }
0x59: {  	_ =	shalt  }
0x5a: {  	_ =	shalt  }
0x5b: {  	_ =	shalt  }
0x5c: {  	_ =	shalt  }
0x5d: {  	_ =	shalt  }
0x5e: {  	_ =	shalt  }
0x5f: {  	_ =	shalt  }
0x60: {  	_ =	shalt  }
0x61: {  	_ =	shalt  }
0x62: {  	_ =	shalt  }
0x63: {  	_ =	shalt  }
0x64: {  	_ =	shalt  }
0x65: {  	_ =	shalt  }
0x66: {  	_ =	shalt  }
0x67: {  	_ =	shalt  }
0x68: {  	_ =	shalt  }
0x69: {  	_ =	shalt  }
0x6a: {  	_ =	shalt  }
0x6b: {  	_ =	shalt  }
0x6c: {  	_ =	shalt  }
0x6d: {  	_ =	shalt  }
0x6e: {  	_ =	shalt  }
0x6f: {  	_ =	shalt  }
0x70: {  	_ =	shalt  }
0x71: {  	_ =	shalt  }
0x72: {  	_ =	shalt  }
0x73: {  	_ =	shalt  }
0x74: {  	_ =	shalt  }
0x75: {  	_ =	shalt  }
0x76: {  	_ =	shalt  }
0x77: {  	_ =	shalt  }
0x78: {  	_ =	shalt  }
0x79: {  	_ =	shalt  }
0x7a: {  	_ =	shalt  }
0x7b: {  	_ =	shalt  }
0x7c: {  	_ =	shalt  }
0x7d: {  	_ =	shalt  }
0x7e: {  	_ =	shalt  }
0x7f: {  	_ =	shalt  }
0x80: {  	_ =	shalt  }
0x81: {  	_ =	shalt  }
0x82: {  	_ =	shalt  }
0x83: {  	_ =	shalt  }
0x84: {  	_ =	shalt  }
0x85: {  	_ =	shalt  }
0x86: {  	_ =	shalt  }
0x87: {  	_ =	shalt  }
.Lfunc_end0:
.L_simem_size_0:
called_computation.1_lowered:
.L_overlay_start_0:
0x88: {  	s2 =	sld [smem:$0x3FD9]  }
0x89: {  	s3 =	sld [smem:$0x3FFE];
	_ =	sdelay $0x1  }
0x8a: {  	s1 =	srdreg.scid  }
0x8b: {  	s0 =	sand.u32 $0x1, s1  }
0x8c: {  	s17 =	sshll.u32 s0, $0xA;
	s2 =	sadd.s32 s3, s2  }
0x8d: {  	s2 =	sadd.s32 s2, s17  }
0x8e: {  	[smem:$0x3FC0] =	sst s2  }
0x8f: {  	_ = 	snop  }
0x90: {  	s2 =	sld [smem:$0x3FD0];
	(tm) =	ssettm $0x1  }
0x91: {  	s18 =	sld [smem:$0x3FFB];
	_ =	sdelay $0x3  }
0x92: {  	_ =	strace s18  }
0x93: {  	s3 =	sld [smem:$0x3FFC];
	_ =	sdelay $0x3  }
0x94: {  	_ =	strace s3  }
0x95: {  	s3 =	sld [smem:$0x3FFD];
	_ =	sdelay $0x3  }
0x96: {  	_ =	strace s3  }
0x97: {  	_ =	strace $0x8FFFFFFF  }
0x98: {  	s19 =	sld [smem:$0x3FDB];
	_ =	sdelay $0x1  }
0x99: {  	s4 =	simm.s32 $_scs_section_size  }
0x9a: {  	s5 =	simm.s32 $_size__tile_overlayer_lowered;
	s6 =	simm.s32 $_tile_overlayer_lowered  }
0x9b: {  	s22 =	simm.s32 $0x1BFF;
	s21 =	sshll.u32 s6, $0x1;
	s3 =	sadd.s32 s4, s19  }
0x9c: {  	s7 =	simm.s32 $0x0;
	s20 =	sshll.u32 s5, $0x1;
	s5 =	sadd.s32 s21, s3  }
0x9d: {  	[timem:s7], [sflag:s22] =	dma.local [hbm:s5], s20  }
0x9e: {  	_ =	swait.ge [sflag:s22], s20  }
0x9f: {  	s4 =	ssub.s32 $0x0, s20;
	[sflag:s22] =	ssyncset.done $0x0  }
0xa0: {  	[sflag:s22] =	ssyncadd.s32 s4;
	_ =	sdelay $0x1  }
0xa1: {  	s23 =	simm.s32 $0x1B8B  }
0xa2: {  	_ =	swait.ge [sflag:s23], $0x1  }
0xa3: {  	[sflag:s23] =	ssyncset.done $0x0  }
0xa4: {  	s25 =	simm.s32 $0x1B8E;
	s24 =	sld [smem:$0x3FFE];
	[sflag:s23] =	ssyncadd.s32 $0xFFFFFFFF  }
0xa5: {  	s26 =	simm.s32 $execute0_lowered;
	[smem:$0x3FD2] =	sst s25  }
0xa6: {  	s5 =	sshll.u32 s26, $0x1;
	_ =	strace $0x80000049;
	[dreg:$0x1] =	wrdreg $0xFFFFFFFF  }
0xa7: {  	s28 =	simm.s32 $_size_execute0_lowered;
	s3 =	sadd.s32 s3, s5;
	[dreg:$0x0] =	wrdreg $0x0  }
0xa8: {  	s5 =	sshll.u32 s28, $0x1;
	[dreg:$0x2] =	wrdreg s3  }
0xa9: {  	[dreg:$0x3] =	wrdreg s5  }
0xaa: {  	[dreg:$0x4] =	wrdreg $0xC0  }
0xab: {  	_ =	task [dreg:s7], $0x5FFFF  }
0xac: {  	[dreg:$0x1] =	wrdreg $0xFFFFFFFF  }
0xad: {  	[dreg:$0x0] =	wrdreg $0x60  }
0xae: {  	[dreg:$0x2] =	wrdreg s2  }
0xaf: {  	[dreg:$0x3] =	wrdreg s24  }
0xb0: {  	[dreg:$0x4] =	wrdreg $0x0  }
0xb1: {  	[dreg:$0x5] =	wrdreg $0x9  }
0xb2: {  	_ =	task.clear_ibuf [dreg:s7], $0x6FFFF;
	_ =	strace $0x90000049  }
0xb3: {  	s29 =	simm.s32 $0x9;
	_ =	strace $0x8000004B  }
0xb4: {  	_ =	swait.ge [sflag:s29], $0x1  }
0xb5: {  	[sflag:s29] =	ssyncadd.s32 $0xFFFFFFFF  }
0xb6: {  	_ =	strace $0x9000004B  }
0xb7: {  	_ =	sfence  }
0xb8: {  	s30 =	sld [smem:$0x0];
	_ =	sdelay $0x2  }
0xb9: {  	s31 =	sshll.u32 s1, $0xD;
	s1 =	sshrl.u32 s1, $0x2  }
0xba: {  	s3 =	sand.u32 $0x4000, s31;
	s1 =	sadd.s32 s1, s30  }
0xbb: {  	s0 =	sor.u32 s3, s0;
	s1 =	sshll.u32 s1, $0x11  }
0xbc: {  	s0 =	sor.u32 s1, s0  }
0xbd: {  	s0 =	sadd.s32 $0x8F2B, s0  }
0xbe: {  	[sflag:s0] =	ssyncadd.remote.s32 $0x1  }
0xbf: {  	_ =	sfence.sel $0xFFFF  }
0xc0: {  	[dreg:$0x0] =	wrdreg $0xFFFFFFFF;
	(pc) =	sbr.abs _section_cstart, $3  }
0xc1: {  	[dreg:$0x1] =	wrdreg $0xFFFFFFFF  }
0xc2: {  	_ =	task.clear_ibuf [dreg:s7], $0x2FFFF;
	_ =	strace $0x9FFFFFFF  }
0xc3: {  	(tm) =	ssettm $0x7FFFFFFF  }
tec
execute0_lowered:
.L_overlay_start_1:
0x0: {  	(tag) =	ssettag $0x1  }
0x1: {  	s1 =	rddreg [dreg:$0x0]  }
0x2: {  	s7 =	rddreg [dreg:$0x1]  }
0x3: {  	s3 =	rddreg [dreg:$0x2]  }
0x4: {  	s0 =	srdreg.scid;
	s2 =	rddreg [dreg:$0x3]  }
0x5: {  	s4 =	simm.s32 $0x0;
	s13 =	simm.s32 $0x5;
	s14 =	simm.s32 $0x14D00  }
0x6: {  	s15 =	simm.s32 $0x80;
	s16 =	simm.s32 $0x16100;
	s17 =	simm.s32 $0x13980  }
0x7: {  	s18 =	simm.s32 $0x1A100;
	s19 =	simm.s32 $0x1;
	s5 =	sand.u32 $0x1, s0  }
0x8: {  	s20 =	simm.s32 $0x2;
	s0 =	stileid.u32;
	s6 =	smul.u32 $0x280, s5  }
0x9: {  	s21 =	simm.s32 $0x3;
	s22 =	simm.s32 $0x13A00;
	s8 =	smul.u32 $0x28, s0  }
0xa: {  	s23 =	simm.s32 $0x14D80;
	s24 =	simm.s32 $0x4;
	s9 =	smul.u32 $0x7D000, s0  }
0xb: {  	s25 =	simm.s32 $0x0;
	[smem:$0x7FF] =	sst s4;
	s10 =	smul.u32 $0x271000, s5  }
0xc: {  	_ =	strace $0x8000004A;
	s5 =	ssub.s32 $0x2, s5;
	p0 =	sgt.u32 s0, $0x4  }
0xd: {  	s29 =	sshrl.u32 s5, $0x1;
	s6 =	sadd.s32 s8, s6;
	s26 =	sadd.s32 s9, s10  }
0xe: {  	s11 =	ssub.s32 s5, s29;
	s30 =	sshrl.u32 s9, $0x1;
	s31 =	sshrl.u32 s9, $0x4  }
.Ltmp0:
0xf: {  	s10 =	sshll.u32 @!p0 s0, $0x6;
	s6 =	sshll.u32 s6, $0x4;
	(pc) =	sbr.rel .LBB2_1-.Ltmp0, $4  }
0x10: {  	s8 =	sshrl.u32 s26, $0x4;
	s12 =	sadd.s32 s30, s3;
	s5 =	sadd.s32 s1, s31  }
0x11: {  	s9 =	smax.u32 s11, $0x1;
	s10 =	sor.u32 @!p0 $0x1C05, s10;
	s28 =	sadd.s32 s6, s7  }
0x12: {  	s8 =	sadd.s32 s8, s7;
	s11 =	sshrl.u32 @!p0 s12, $0x3;
	s12 =	simm.s32 $0x13900  }
0x13: {  	s6 =	sadd.s32 $0x6E00, s28;
	s7 =	sadd.s32 $0x1E00, s28;
	s8 =	sadd.s32 $0xBE00, s8  }
.LBB2_4:
0x14: {  	[spmem:s3] =	stream.indirect.scatter.add.bf16 [tilespmem:s18], [sflag:$0x4], $0x80, s29, s15, $0xb8;
	[tilespmem:$0x1E100] =	vst v63  }
0x15: {  	_ =	swait.ge [sflag:s24], $0x4000  }
0x16: {  	s25 =	sadd.s32 $0x1, s25;
	[sflag:s24] =	ssyncset.done $0x0  }
0x17: {  	p1 =	sne.s32 s25, s9;
	[sflag:s24] =	ssyncadd.s32 $0xFFFFC000  }
.Ltmp1:
0x18: {  	s26 =	simm.s32 @!p0 $0x5;
	[bflag:$0x0] =	sbarrier.arrive $0xFFFF;
	(pc) =	sbr.rel @!p1 .LBB2_5-.Ltmp1, $4  }
0x19: {  	[hbm:s8], [sflag:s10] =	dma.local @!p0 [spmem:s11], $0x7D00  }
0x1a: {  	_ =	swait.ge @!p0 [sflag:s26], $0x7D00  }
0x1b: {  	[sflag:s26] =	ssyncset.done @!p0 $0x0  }
0x1c: {  	[sflag:s26] =	ssyncadd.s32 @!p0 $0xFFFF8300  }
.LBB2_1:
0x1d: {  	[spmem:s11], [sflag:s10] =	dma.local @!p0 [hbm:s5], $0x7D00  }
0x1e: {  	s26 =	simm.s32 @!p0 $0x5  }
0x1f: {  	_ =	swait.ge @!p0 [sflag:s26], $0x7D00  }
0x20: {  	[sflag:s26] =	ssyncset.done @!p0 $0x0  }
0x21: {  	[sflag:s26] =	ssyncadd.s32 @!p0 $0xFFFF8300  }
0x22: {  	[tilespmem:s12], [sflag:$0x5] =	stream.linear.gather [hbm4b:s6+s4], $0x1400, $0x38;
	[tilespmem:$0x1E100] =	vst v63  }
0x23: {  	_ =	swait.ge [sflag:s13], $0x1400  }
0x24: {  	[sflag:s13] =	ssyncset.done $0x0  }
0x25: {  	[sflag:s13] =	ssyncadd.s32 $0xFFFFEC00  }
0x26: {  	[tilespmem:s14], [sflag:$0x5] =	stream.linear.gather [hbm4b:s7+s4], $0x1400, $0x38;
	[tilespmem:$0x1E100] =	vst v63  }
0x27: {  	_ =	swait.ge [sflag:s13], $0x1400  }
0x28: {  	[sflag:s13] =	ssyncset.done $0x0  }
0x29: {  	[sflag:s13] =	ssyncadd.s32 $0xFFFFEC00  }
0x2a: {  	[bflag:$0x0] =	sbarrier.arrive $0xFFFF  }
0x2b: {  	[tilespmem:s16], [sflag:$0x1] =	stream.indirect.gather [hbm4b:s1+s15], $0x80, s12, s15, $0xb8;
	[tilespmem:$0x1E100] =	vst v63  }
0x2c: {  	_ = 	snop  }
0x2d: {  	[tilespmem:s18], [sflag:$0x2] =	stream.indirect.gather [hbm4b:s1+s15], $0x80, s17, s15, $0xb8;
	[tilespmem:$0x1E100] =	vst v63  }
0x2e: {  	_ =	swait.ge [sflag:s19], $0x4000  }
0x2f: {  	[sflag:s19] =	ssyncset.done $0x0  }
0x30: {  	[sflag:s19] =	ssyncadd.s32 $0xFFFFC000  }
0x31: {  	[spmem:s3] =	stream.indirect.scatter.add.bf16 [tilespmem:s16], [sflag:$0x3], $0x80, s14, s15, $0xb8;
	[tilespmem:$0x1E100] =	vst v63  }
0x32: {  	_ =	swait.ge [sflag:s20], $0x4000  }
0x33: {  	[sflag:s20] =	ssyncset.done $0x0  }
0x34: {  	[sflag:s20] =	ssyncadd.s32 $0xFFFFC000  }
0x35: {  	_ =	swait.ge [sflag:s21], $0x4000  }
0x36: {  	[sflag:s21] =	ssyncset.done $0x0  }
0x37: {  	[sflag:s21] =	ssyncadd.s32 $0xFFFFC000  }
0x38: {  	[tilespmem:s16], [sflag:$0x1] =	stream.indirect.gather [hbm4b:s1+s15], $0x80, s22, s15, $0xb8;
	[tilespmem:$0x1E100] =	vst v63  }
0x39: {  	s26 =	simm.s32 $0xFFFFB800  }
0x3a: {  	[spmem:s3] =	stream.indirect.scatter.add.bf16 [tilespmem:s18], [sflag:$0x4], $0x80, s23, s15, $0xb8;
	[tilespmem:$0x1E100] =	vst v63  }
.LBB2_2:
0x3b: {  	_ =	swait.ge [sflag:s24], $0x4000  }
0x3c: {  	s28 =	sshra.s32 s26, $0x2;
	[sflag:s24] =	ssyncset.done $0x0  }
0x3d: {  	s29 =	sadd.s32 $0x14C80, s28;
	[sflag:s24] =	ssyncadd.s32 $0xFFFFC000  }
0x3e: {  	[tilespmem:s18], [sflag:$0x2] =	stream.indirect.gather [hbm4b:s1+s15], $0x80, s29, s15, $0xb8;
	[tilespmem:$0x1E100] =	vst v63  }
0x3f: {  	_ =	swait.ge [sflag:s19], $0x4000  }
0x40: {  	[sflag:s19] =	ssyncset.done $0x0  }
0x41: {  	s29 =	sadd.s32 $0x16000, s28;
	[sflag:s19] =	ssyncadd.s32 $0xFFFFC000  }
0x42: {  	[spmem:s3] =	stream.indirect.scatter.add.bf16 [tilespmem:s16], [sflag:$0x3], $0x80, s29, s15, $0xb8;
	[tilespmem:$0x1E100] =	vst v63  }
0x43: {  	p1 =	seq.s32 s26, $0x0;
	_ =	swait.ge [sflag:s20], $0x4000  }
.Ltmp2:
0x44: {  	[sflag:s20] =	ssyncset.done $0x0;
	(pc) =	sbr.rel @p1 .LBB2_4-.Ltmp2, $4  }
0x45: {  	[sflag:s20] =	ssyncadd.s32 $0xFFFFC000  }
0x46: {  	_ =	swait.ge [sflag:s21], $0x4000  }
0x47: {  	[sflag:s21] =	ssyncset.done $0x0  }
0x48: {  	s29 =	sadd.s32 $0x16080, s28;
	[sflag:s21] =	ssyncadd.s32 $0xFFFFC000  }
.Ltmp3:
0x49: {  	(pc) =	sbr.rel .LBB2_2-.Ltmp3, $4  }
0x4a: {  	s28 =	sadd.s32 $0x14D00, s28  }
0x4b: {  	[tilespmem:s16], [sflag:$0x1] =	stream.indirect.gather [hbm4b:s1+s15], $0x80, s28, s15, $0xb8;
	[tilespmem:$0x1E100] =	vst v63  }
0x4c: {  	s26 =	sadd.s32 $0x400, s26  }
0x4d: {  	[spmem:s3] =	stream.indirect.scatter.add.bf16 [tilespmem:s18], [sflag:$0x4], $0x80, s29, s15, $0xb8;
	[tilespmem:$0x1E100] =	vst v63  }
.LBB2_5:
0x4e: {  	_ =	sfence.sel $0x180000  }
0x4f: {  	[bflag:$0x0] =	sbarrier.arrive $0xFFFF  }
0x50: {  	p0 =	sne.s32 s0, $0x0;
	_ =	strace $0x9000004A  }
0x51: {  	s0 =	sadd.s32 @!p0 $0x100000, s2;
	[bflag:$0x2] =	sbarrier.arrive $0xFFFF  }
0x52: {  	[sflag:s0] =	ssyncadd.tile.s32 @!p0 $0x1;
	_ =	shalt  }
.Lfunc_end2:
_tile_overlayer_lowered:
.L_overlay_start_2:
0x53: {  	(tag) =	ssettag $0x2  }
0x54: {  	s0 =	rddreg [dreg:$0x0];
	s2 =	stileid.u32  }
0x55: {  	s1 =	rddreg [dreg:$0x1];
	p0 =	sne.s32 s2, $0x0  }
0x56: {  	s3 =	rddreg [dreg:$0x2];
	[bflag:$0x3] =	sbarrier.arrive $0xFFFF;
	s2 =	simm.s32 @!p0 $0x1C05  }
0x57: {  	[timem:s3], [sflag:s2] =	dma.local @!p0 [hbm:s0], s1  }
0x58: {  	s0 =	simm.s32 @!p0 $0x5  }
0x59: {  	_ =	swait.ge @!p0 [sflag:s0], s1  }
0x5a: {  	s1 =	ssub.s32 @!p0 $0x0, s1;
	[sflag:s0] =	ssyncset.done @!p0 $0x0  }
0x5b: {  	[sflag:s0] =	ssyncadd.s32 @!p0 s1  }
0x5c: {  	[bflag:$0x3] =	sbarrier.arrive $0xFFFF  }
0x5d: {  	_ =	shalt  }

// kernel: kernel.16.cloned.1.call-start
scs
__scs_entry_jumppad:
0x0: {  	(pc) =	sbr.rel $0x88, $3  }
0x1: {  	(tag) =	ssettag $0x0;
	lr =	simm.s32 $0x1  }
0x2: {  	[smem:$0x3F99] =	sst lr;
	_ =	strace $0xD0000000  }
0x3: {  	_ = 	snop  }
0x4: {  	_ = 	snop  }
0x5: {  	_ = 	snop  }
0x6: {  	_ = 	snop  }
0x7: {  	_ = 	snop  }
__scs_overlays_trampoline_lowered:
0x8: {  	[smem:$0x3FA8] =	sst s0  }
0x9: {  	[smem:$0x3FA9] =	sst s1  }
0xa: {  	[smem:$0x3FAA] =	sst s2  }
0xb: {  	[smem:$0x3FAB] =	sst s3  }
0xc: {  	[smem:$0x3FAC] =	sst s4  }
0xd: {  	[smem:$0x3FAD] =	sst s5  }
0xe: {  	[smem:$0x3FAE] =	sst s6  }
0xf: {  	[smem:$0x3FAF] =	sst s7  }
0x10: {  	[smem:$0x3FB0] =	sst s8  }
0x11: {  	[smem:$0x3FB1] =	sst s9;
	s0 =	simm.s32 @!p0 $0x0  }
0x12: {  	s1 =	sld [smem:$0x3F97];
	s0 =	simm.s32 @p0 $0x1  }
0x13: {  	[smem:$0x3FB2] =	sst s0;
	s0 =	simm.s32 @!p1 $0x0  }
0x14: {  	s2 =	sld [smem:$0x3F96];
	s0 =	simm.s32 @p1 $0x1  }
0x15: {  	[smem:$0x3FB3] =	sst s0;
	s0 =	simm.s32 @!p2 $0x0  }
0x16: {  	s3 =	sld [smem:$0x3FDB];
	s0 =	simm.s32 @p2 $0x1  }
0x17: {  	s4 =	simm.s32 $0x1BF5;
	[smem:$0x3FB5] =	sst s0  }
0x18: {  	s0 =	sld [smem:$0x3F98];
	_ =	swait.ge [sflag:s4], $0x0  }
0x19: {  	s7 =	sld [smem:$0x3F99]  }
0x1a: {  	s8 =	sadd.s32 $0xFFFFE003, lr  }
0x1b: {  	s9 =	sadd.s32 $0xFFFFFEF7, lr;
	s5 =	simm.s32 $0xFFFFFFFF;
	p2 =	slt.u32 s8, $0xFFFFF086  }
0x1c: {  	p1 =	slt.u32 s9, $0xF7A;
	s5 =	simm.s32 @!p2 $0x0  }
0x1d: {  	s5 =	simm.s32 @p1 $0x1;
	p0 =	seq.s32 s7, s2  }
0x1e: {  	s7 =	smul.u32 @!p0 $0xF7A, s2;
	p2 =	seq.s32 @!p0 s5, $0x0  }
0x1f: {  	s9 =	smul.u32 $0xF7A, s1;
	s8 =	simm.s32 @!p0 $0x1BF5;
	p2 =	por !p2, p0  }
0x20: {  	[sflag:s8] =	ssyncset.s32 @!p0 $0xFFFFF086;
	s6 =	sadd.s32 @!p0 s3, s7;
	s7 =	simm.s32 @!p0 $0x108  }
0x21: {  	s3 =	sadd.s32 s3, s9;
	s6 =	sadd.s32 @!p0 $0x88, s6;
	s7 =	simm.s32 @p2 $0x1082  }
0x22: {  	[simem:s7], [sflag:s8] =	dma.local @!p0 [hbm:s6], $0xF7A  }
0x23: {  	s9 =	sor.u32 $0xD0000000, s2;
	s6 =	simm.s32 $0x108;
	_ =	swait.ge @!p0 [sflag:s8], $0x0  }
0x24: {  	s3 =	sadd.s32 $0x88, s3;
	s6 =	simm.s32 @!p1 $0x1082;
	[sflag:s4] =	ssyncset.s32 $0xFFFFF086  }
0x25: {  	[simem:s6], [sflag:s4] =	dma.local [hbm:s3], $0xF7A  }
0x26: {  	[smem:$0x3F99] =	sst s1;
	(tag) =	ssettag s2;
	_ =	strace s9  }
0x27: {  	s1 =	sld [smem:$0x3FA9]  }
0x28: {  	s2 =	sld [smem:$0x3FAA]  }
0x29: {  	s4 =	sld [smem:$0x3FAC]  }
0x2a: {  	p0 =	seq.s32 s5, $0x0;
	s5 =	sld [smem:$0x3FAD]  }
0x2b: {  	s6 =	sld [smem:$0x3FAE]  }
0x2c: {  	s7 =	sld [smem:$0x3FAF]  }
0x2d: {  	s3 =	simm.s32 $0x108;
	s8 =	sld [smem:$0x3FB0]  }
0x2e: {  	s3 =	simm.s32 @!p0 $0x1082;
	s9 =	sld [smem:$0x3FB1]  }
0x2f: {  	lr =	sadd.s32 s0, s3;
	s0 =	sld [smem:$0x3FA8]  }
0x30: {  	s3 =	sld [smem:$0x3FAB]  }
0x31: {  	[smem:$0x3FB4] =	sst s10  }
0x32: {  	s10 =	sld [smem:$0x3FB2];
	_ =	sdelay $0x3  }
0x33: {  	p0 =	seq.s32 s10, $0x1;
	s10 =	sld [smem:$0x3FB4];
	_ =	sdelay $0x3  }
0x34: {  	[smem:$0x3FB4] =	sst s10  }
0x35: {  	s10 =	sld [smem:$0x3FB3];
	_ =	sdelay $0x3  }
0x36: {  	p1 =	seq.s32 s10, $0x1;
	s10 =	sld [smem:$0x3FB4];
	_ =	sdelay $0x3  }
0x37: {  	[smem:$0x3FB4] =	sst s10  }
0x38: {  	s10 =	sld [smem:$0x3FB5]  }
0x39: {  	_ = 	snop;
	(pc) =	sbr.ind lr, $3  }
0x3a: {  	_ = 	snop  }
0x3b: {  	_ = 	snop  }
0x3c: {  	p2 =	seq.s32 s10, $0x1;
	s10 =	sld [smem:$0x3FB4]  }
0x3d: {  	_ =	shalt  }
0x3e: {  	_ =	shalt  }
0x3f: {  	_ =	shalt  }
0x40: {  	_ =	shalt  }
0x41: {  	_ =	shalt  }
0x42: {  	_ =	shalt  }
0x43: {  	_ =	shalt  }
0x44: {  	_ =	shalt  }
0x45: {  	_ =	shalt  }
0x46: {  	_ =	shalt  }
0x47: {  	_ =	shalt  }
0x48: {  	_ =	shalt  }
0x49: {  	_ =	shalt  }
0x4a: {  	_ =	shalt  }
0x4b: {  	_ =	shalt  }
0x4c: {  	_ =	shalt  }
0x4d: {  	_ =	shalt  }
0x4e: {  	_ =	shalt  }
0x4f: {  	_ =	shalt  }
0x50: {  	_ =	shalt  }
0x51: {  	_ =	shalt  }
0x52: {  	_ =	shalt  }
0x53: {  	_ =	shalt  }
0x54: {  	_ =	shalt  }
0x55: {  	_ =	shalt  }
0x56: {  	_ =	shalt  }
0x57: {  	_ =	shalt  }
0x58: {  	_ =	shalt  }
0x59: {  	_ =	shalt  }
0x5a: {  	_ =	shalt  }
0x5b: {  	_ =	shalt  }
0x5c: {  	_ =	shalt  }
0x5d: {  	_ =	shalt  }
0x5e: {  	_ =	shalt  }
0x5f: {  	_ =	shalt  }
0x60: {  	_ =	shalt  }
0x61: {  	_ =	shalt  }
0x62: {  	_ =	shalt  }
0x63: {  	_ =	shalt  }
0x64: {  	_ =	shalt  }
0x65: {  	_ =	shalt  }
0x66: {  	_ =	shalt  }
0x67: {  	_ =	shalt  }
0x68: {  	_ =	shalt  }
0x69: {  	_ =	shalt  }
0x6a: {  	_ =	shalt  }
0x6b: {  	_ =	shalt  }
0x6c: {  	_ =	shalt  }
0x6d: {  	_ =	shalt  }
0x6e: {  	_ =	shalt  }
0x6f: {  	_ =	shalt  }
0x70: {  	_ =	shalt  }
0x71: {  	_ =	shalt  }
0x72: {  	_ =	shalt  }
0x73: {  	_ =	shalt  }
0x74: {  	_ =	shalt  }
0x75: {  	_ =	shalt  }
0x76: {  	_ =	shalt  }
0x77: {  	_ =	shalt  }
0x78: {  	_ =	shalt  }
0x79: {  	_ =	shalt  }
0x7a: {  	_ =	shalt  }
0x7b: {  	_ =	shalt  }
0x7c: {  	_ =	shalt  }
0x7d: {  	_ =	shalt  }
0x7e: {  	_ =	shalt  }
0x7f: {  	_ =	shalt  }
0x80: {  	_ =	shalt  }
0x81: {  	_ =	shalt  }
0x82: {  	_ =	shalt  }
0x83: {  	_ =	shalt  }
0x84: {  	_ =	shalt  }
0x85: {  	_ =	shalt  }
0x86: {  	_ =	shalt  }
0x87: {  	_ =	shalt  }
.Lfunc_end0:
.L_simem_size_0:
called_computation.2_lowered:
.L_overlay_start_0:
0x88: {  	s2 =	sld [smem:$0x3FD9]  }
0x89: {  	s3 =	sld [smem:$0x3FFE];
	_ =	sdelay $0x1  }
0x8a: {  	s1 =	srdreg.scid  }
0x8b: {  	s0 =	sand.u32 $0x1, s1  }
0x8c: {  	s17 =	sshll.u32 s0, $0xA;
	s2 =	sadd.s32 s3, s2  }
0x8d: {  	s2 =	sadd.s32 s2, s17  }
0x8e: {  	[smem:$0x3FC0] =	sst s2  }
0x8f: {  	_ = 	snop  }
0x90: {  	s2 =	sld [smem:$0x3FD0];
	(tm) =	ssettm $0x1  }
0x91: {  	s18 =	sld [smem:$0x3FFB];
	_ =	sdelay $0x3  }
0x92: {  	_ =	strace s18  }
0x93: {  	s3 =	sld [smem:$0x3FFC];
	_ =	sdelay $0x3  }
0x94: {  	_ =	strace s3  }
0x95: {  	s3 =	sld [smem:$0x3FFD];
	_ =	sdelay $0x3  }
0x96: {  	_ =	strace s3  }
0x97: {  	_ =	strace $0x8FFFFFFF  }
0x98: {  	s19 =	sld [smem:$0x3FDB];
	_ =	sdelay $0x1  }
0x99: {  	s4 =	simm.s32 $_scs_section_size  }
0x9a: {  	s5 =	simm.s32 $_size__tile_overlayer_lowered;
	s6 =	simm.s32 $_tile_overlayer_lowered  }
0x9b: {  	s22 =	simm.s32 $0x1BFF;
	s21 =	sshll.u32 s6, $0x1;
	s3 =	sadd.s32 s4, s19  }
0x9c: {  	s7 =	simm.s32 $0x0;
	s20 =	sshll.u32 s5, $0x1;
	s5 =	sadd.s32 s21, s3  }
0x9d: {  	[timem:s7], [sflag:s22] =	dma.local [hbm:s5], s20  }
0x9e: {  	_ =	swait.ge [sflag:s22], s20  }
0x9f: {  	s4 =	ssub.s32 $0x0, s20;
	[sflag:s22] =	ssyncset.done $0x0  }
0xa0: {  	[sflag:s22] =	ssyncadd.s32 s4;
	_ =	sdelay $0x1  }
0xa1: {  	s23 =	simm.s32 $0x1B8B  }
0xa2: {  	_ =	swait.ge [sflag:s23], $0x1  }
0xa3: {  	[sflag:s23] =	ssyncset.done $0x0  }
0xa4: {  	s25 =	simm.s32 $0x1B8E;
	s24 =	sld [smem:$0x3FFE];
	[sflag:s23] =	ssyncadd.s32 $0xFFFFFFFF  }
0xa5: {  	s26 =	simm.s32 $execute0_lowered;
	[smem:$0x3FD2] =	sst s25  }
0xa6: {  	s5 =	sshll.u32 s26, $0x1;
	_ =	strace $0x8000004C;
	[dreg:$0x1] =	wrdreg $0xFFFFFFFF  }
0xa7: {  	s28 =	simm.s32 $_size_execute0_lowered;
	s3 =	sadd.s32 s3, s5;
	[dreg:$0x0] =	wrdreg $0x0  }
0xa8: {  	s5 =	sshll.u32 s28, $0x1;
	[dreg:$0x2] =	wrdreg s3  }
0xa9: {  	[dreg:$0x3] =	wrdreg s5  }
0xaa: {  	[dreg:$0x4] =	wrdreg $0xC0  }
0xab: {  	_ =	task [dreg:s7], $0x5FFFF  }
0xac: {  	[dreg:$0x1] =	wrdreg $0xFFFFFFFF  }
0xad: {  	[dreg:$0x0] =	wrdreg $0x60  }
0xae: {  	[dreg:$0x2] =	wrdreg s2  }
0xaf: {  	[dreg:$0x3] =	wrdreg s24  }
0xb0: {  	[dreg:$0x4] =	wrdreg $0x0  }
0xb1: {  	[dreg:$0x5] =	wrdreg $0x9  }
0xb2: {  	_ =	task.clear_ibuf [dreg:s7], $0x6FFFF;
	_ =	strace $0x9000004C  }
0xb3: {  	s29 =	simm.s32 $0x9;
	_ =	strace $0x8000004E  }
0xb4: {  	_ =	swait.ge [sflag:s29], $0x1  }
0xb5: {  	[sflag:s29] =	ssyncadd.s32 $0xFFFFFFFF  }
0xb6: {  	_ =	strace $0x9000004E  }
0xb7: {  	_ =	sfence  }
0xb8: {  	s30 =	sld [smem:$0x0];
	_ =	sdelay $0x2  }
0xb9: {  	s31 =	sshll.u32 s1, $0xD;
	s1 =	sshrl.u32 s1, $0x2  }
0xba: {  	s3 =	sand.u32 $0x4000, s31;
	s1 =	sadd.s32 s1, s30  }
0xbb: {  	s0 =	sor.u32 s3, s0;
	s1 =	sshll.u32 s1, $0x11  }
0xbc: {  	s0 =	sor.u32 s1, s0  }
0xbd: {  	s0 =	sadd.s32 $0x8F2B, s0  }
0xbe: {  	[sflag:s0] =	ssyncadd.remote.s32 $0x1  }
0xbf: {  	_ =	sfence.sel $0xFFFF  }
0xc0: {  	[dreg:$0x0] =	wrdreg $0xFFFFFFFF;
	(pc) =	sbr.abs _section_cstart, $3  }
0xc1: {  	[dreg:$0x1] =	wrdreg $0xFFFFFFFF  }
0xc2: {  	_ =	task.clear_ibuf [dreg:s7], $0x2FFFF;
	_ =	strace $0x9FFFFFFF  }
0xc3: {  	(tm) =	ssettm $0x7FFFFFFF  }
tec
execute0_lowered:
.L_overlay_start_1:
0x0: {  	(tag) =	ssettag $0x1  }
0x1: {  	s1 =	rddreg [dreg:$0x0]  }
0x2: {  	s7 =	rddreg [dreg:$0x1]  }
0x3: {  	s3 =	rddreg [dreg:$0x2]  }
0x4: {  	s0 =	srdreg.scid;
	s2 =	rddreg [dreg:$0x3]  }
0x5: {  	s4 =	simm.s32 $0x0;
	s13 =	simm.s32 $0x5;
	s14 =	simm.s32 $0x14D00  }
0x6: {  	s15 =	simm.s32 $0x80;
	s16 =	simm.s32 $0x16100;
	s17 =	simm.s32 $0x13980  }
0x7: {  	s18 =	simm.s32 $0x1A100;
	s19 =	simm.s32 $0x1;
	s5 =	sand.u32 $0x1, s0  }
0x8: {  	s20 =	simm.s32 $0x2;
	s0 =	stileid.u32;
	s6 =	smul.u32 $0x280, s5  }
0x9: {  	s21 =	simm.s32 $0x3;
	s22 =	simm.s32 $0x13A00;
	s8 =	smul.u32 $0x28, s0  }
0xa: {  	s23 =	simm.s32 $0x14D80;
	s24 =	simm.s32 $0x4;
	s9 =	smul.u32 $0x7D000, s0  }
0xb: {  	s25 =	simm.s32 $0x0;
	[smem:$0x7FF] =	sst s4;
	s10 =	smul.u32 $0x271000, s5  }
0xc: {  	_ =	strace $0x8000004D;
	s5 =	ssub.s32 $0x2, s5;
	p0 =	sgt.u32 s0, $0x4  }
0xd: {  	s29 =	sshrl.u32 s5, $0x1;
	s6 =	sadd.s32 s8, s6;
	s26 =	sadd.s32 s9, s10  }
0xe: {  	s11 =	ssub.s32 s5, s29;
	s30 =	sshrl.u32 s9, $0x1;
	s31 =	sshrl.u32 s9, $0x4  }
.Ltmp0:
0xf: {  	s10 =	sshll.u32 @!p0 s0, $0x6;
	s6 =	sshll.u32 s6, $0x4;
	(pc) =	sbr.rel .LBB2_1-.Ltmp0, $4  }
0x10: {  	s8 =	sshrl.u32 s26, $0x4;
	s12 =	sadd.s32 s30, s3;
	s5 =	sadd.s32 s1, s31  }
0x11: {  	s9 =	smax.u32 s11, $0x1;
	s10 =	sor.u32 @!p0 $0x1C05, s10;
	s28 =	sadd.s32 s6, s7  }
0x12: {  	s8 =	sadd.s32 s8, s7;
	s11 =	sshrl.u32 @!p0 s12, $0x3;
	s12 =	simm.s32 $0x13900  }
0x13: {  	s6 =	sadd.s32 $0x6E00, s28;
	s7 =	sadd.s32 $0x1E00, s28;
	s8 =	sadd.s32 $0xBE00, s8  }
.LBB2_4:
0x14: {  	[spmem:s3] =	stream.indirect.scatter.add.bf16 [tilespmem:s18], [sflag:$0x4], $0x80, s29, s15, $0xb8;
	[tilespmem:$0x1E100] =	vst v63  }
0x15: {  	_ =	swait.ge [sflag:s24], $0x4000  }
0x16: {  	s25 =	sadd.s32 $0x1, s25;
	[sflag:s24] =	ssyncset.done $0x0  }
0x17: {  	p1 =	sne.s32 s25, s9;
	[sflag:s24] =	ssyncadd.s32 $0xFFFFC000  }
.Ltmp1:
0x18: {  	s26 =	simm.s32 @!p0 $0x5;
	[bflag:$0x0] =	sbarrier.arrive $0xFFFF;
	(pc) =	sbr.rel @!p1 .LBB2_5-.Ltmp1, $4  }
0x19: {  	[hbm:s8], [sflag:s10] =	dma.local @!p0 [spmem:s11], $0x7D00  }
0x1a: {  	_ =	swait.ge @!p0 [sflag:s26], $0x7D00  }
0x1b: {  	[sflag:s26] =	ssyncset.done @!p0 $0x0  }
0x1c: {  	[sflag:s26] =	ssyncadd.s32 @!p0 $0xFFFF8300  }
.LBB2_1:
0x1d: {  	[spmem:s11], [sflag:s10] =	dma.local @!p0 [hbm:s5], $0x7D00  }
0x1e: {  	s26 =	simm.s32 @!p0 $0x5  }
0x1f: {  	_ =	swait.ge @!p0 [sflag:s26], $0x7D00  }
0x20: {  	[sflag:s26] =	ssyncset.done @!p0 $0x0  }
0x21: {  	[sflag:s26] =	ssyncadd.s32 @!p0 $0xFFFF8300  }
0x22: {  	[tilespmem:s12], [sflag:$0x5] =	stream.linear.gather [hbm4b:s6+s4], $0x1400, $0x38;
	[tilespmem:$0x1E100] =	vst v63  }
0x23: {  	_ =	swait.ge [sflag:s13], $0x1400  }
0x24: {  	[sflag:s13] =	ssyncset.done $0x0  }
0x25: {  	[sflag:s13] =	ssyncadd.s32 $0xFFFFEC00  }
0x26: {  	[tilespmem:s14], [sflag:$0x5] =	stream.linear.gather [hbm4b:s7+s4], $0x1400, $0x38;
	[tilespmem:$0x1E100] =	vst v63  }
0x27: {  	_ =	swait.ge [sflag:s13], $0x1400  }
0x28: {  	[sflag:s13] =	ssyncset.done $0x0  }
0x29: {  	[sflag:s13] =	ssyncadd.s32 $0xFFFFEC00  }
0x2a: {  	[bflag:$0x0] =	sbarrier.arrive $0xFFFF  }
0x2b: {  	[tilespmem:s16], [sflag:$0x1] =	stream.indirect.gather [hbm4b:s1+s15], $0x80, s12, s15, $0xb8;
	[tilespmem:$0x1E100] =	vst v63  }
0x2c: {  	_ = 	snop  }
0x2d: {  	[tilespmem:s18], [sflag:$0x2] =	stream.indirect.gather [hbm4b:s1+s15], $0x80, s17, s15, $0xb8;
	[tilespmem:$0x1E100] =	vst v63  }
0x2e: {  	_ =	swait.ge [sflag:s19], $0x4000  }
0x2f: {  	[sflag:s19] =	ssyncset.done $0x0  }
0x30: {  	[sflag:s19] =	ssyncadd.s32 $0xFFFFC000  }
0x31: {  	[spmem:s3] =	stream.indirect.scatter.add.bf16 [tilespmem:s16], [sflag:$0x3], $0x80, s14, s15, $0xb8;
	[tilespmem:$0x1E100] =	vst v63  }
0x32: {  	_ =	swait.ge [sflag:s20], $0x4000  }
0x33: {  	[sflag:s20] =	ssyncset.done $0x0  }
0x34: {  	[sflag:s20] =	ssyncadd.s32 $0xFFFFC000  }
0x35: {  	_ =	swait.ge [sflag:s21], $0x4000  }
0x36: {  	[sflag:s21] =	ssyncset.done $0x0  }
0x37: {  	[sflag:s21] =	ssyncadd.s32 $0xFFFFC000  }
0x38: {  	[tilespmem:s16], [sflag:$0x1] =	stream.indirect.gather [hbm4b:s1+s15], $0x80, s22, s15, $0xb8;
	[tilespmem:$0x1E100] =	vst v63  }
0x39: {  	s26 =	simm.s32 $0xFFFFB800  }
0x3a: {  	[spmem:s3] =	stream.indirect.scatter.add.bf16 [tilespmem:s18], [sflag:$0x4], $0x80, s23, s15, $0xb8;
	[tilespmem:$0x1E100] =	vst v63  }
.LBB2_2:
0x3b: {  	_ =	swait.ge [sflag:s24], $0x4000  }
0x3c: {  	s28 =	sshra.s32 s26, $0x2;
	[sflag:s24] =	ssyncset.done $0x0  }
0x3d: {  	s29 =	sadd.s32 $0x14C80, s28;
	[sflag:s24] =	ssyncadd.s32 $0xFFFFC000  }
0x3e: {  	[tilespmem:s18], [sflag:$0x2] =	stream.indirect.gather [hbm4b:s1+s15], $0x80, s29, s15, $0xb8;
	[tilespmem:$0x1E100] =	vst v63  }
0x3f: {  	_ =	swait.ge [sflag:s19], $0x4000  }
0x40: {  	[sflag:s19] =	ssyncset.done $0x0  }
0x41: {  	s29 =	sadd.s32 $0x16000, s28;
	[sflag:s19] =	ssyncadd.s32 $0xFFFFC000  }
0x42: {  	[spmem:s3] =	stream.indirect.scatter.add.bf16 [tilespmem:s16], [sflag:$0x3], $0x80, s29, s15, $0xb8;
	[tilespmem:$0x1E100] =	vst v63  }
0x43: {  	p1 =	seq.s32 s26, $0x0;
	_ =	swait.ge [sflag:s20], $0x4000  }
.Ltmp2:
0x44: {  	[sflag:s20] =	ssyncset.done $0x0;
	(pc) =	sbr.rel @p1 .LBB2_4-.Ltmp2, $4  }
0x45: {  	[sflag:s20] =	ssyncadd.s32 $0xFFFFC000  }
0x46: {  	_ =	swait.ge [sflag:s21], $0x4000  }
0x47: {  	[sflag:s21] =	ssyncset.done $0x0  }
0x48: {  	s29 =	sadd.s32 $0x16080, s28;
	[sflag:s21] =	ssyncadd.s32 $0xFFFFC000  }
.Ltmp3:
0x49: {  	(pc) =	sbr.rel .LBB2_2-.Ltmp3, $4  }
0x4a: {  	s28 =	sadd.s32 $0x14D00, s28  }
0x4b: {  	[tilespmem:s16], [sflag:$0x1] =	stream.indirect.gather [hbm4b:s1+s15], $0x80, s28, s15, $0xb8;
	[tilespmem:$0x1E100] =	vst v63  }
0x4c: {  	s26 =	sadd.s32 $0x400, s26  }
0x4d: {  	[spmem:s3] =	stream.indirect.scatter.add.bf16 [tilespmem:s18], [sflag:$0x4], $0x80, s29, s15, $0xb8;
	[tilespmem:$0x1E100] =	vst v63  }
.LBB2_5:
0x4e: {  	_ =	sfence.sel $0x180000  }
0x4f: {  	[bflag:$0x0] =	sbarrier.arrive $0xFFFF  }
0x50: {  	p0 =	sne.s32 s0, $0x0;
	_ =	strace $0x9000004D  }
0x51: {  	s0 =	sadd.s32 @!p0 $0x100000, s2;
	[bflag:$0x2] =	sbarrier.arrive $0xFFFF  }
0x52: {  	[sflag:s0] =	ssyncadd.tile.s32 @!p0 $0x1;
	_ =	shalt  }
.Lfunc_end2:
_tile_overlayer_lowered:
.L_overlay_start_2:
0x53: {  	(tag) =	ssettag $0x2  }
0x54: {  	s0 =	rddreg [dreg:$0x0];
	s2 =	stileid.u32  }
0x55: {  	s1 =	rddreg [dreg:$0x1];
	p0 =	sne.s32 s2, $0x0  }
0x56: {  	s3 =	rddreg [dreg:$0x2];
	[bflag:$0x3] =	sbarrier.arrive $0xFFFF;
	s2 =	simm.s32 @!p0 $0x1C05  }
0x57: {  	[timem:s3], [sflag:s2] =	dma.local @!p0 [hbm:s0], s1  }
0x58: {  	s0 =	simm.s32 @!p0 $0x5  }
0x59: {  	_ =	swait.ge @!p0 [sflag:s0], s1  }
0x5a: {  	s1 =	ssub.s32 @!p0 $0x0, s1;
	[sflag:s0] =	ssyncset.done @!p0 $0x0  }
0x5b: {  	[sflag:s0] =	ssyncadd.s32 @!p0 s1  }
0x5c: {  	[bflag:$0x3] =	sbarrier.arrive $0xFFFF  }
0x5d: {  	_ =	shalt  }

// kernel: kernel.19.cloned.1.call-start
scs
__scs_entry_jumppad:
0x0: {  	(pc) =	sbr.rel $0x88, $3  }
0x1: {  	(tag) =	ssettag $0x0;
	lr =	simm.s32 $0x1  }
0x2: {  	[smem:$0x3F99] =	sst lr;
	_ =	strace $0xD0000000  }
0x3: {  	_ = 	snop  }
0x4: {  	_ = 	snop  }
0x5: {  	_ = 	snop  }
0x6: {  	_ = 	snop  }
0x7: {  	_ = 	snop  }
__scs_overlays_trampoline_lowered:
0x8: {  	[smem:$0x3FA8] =	sst s0  }
0x9: {  	[smem:$0x3FA9] =	sst s1  }
0xa: {  	[smem:$0x3FAA] =	sst s2  }
0xb: {  	[smem:$0x3FAB] =	sst s3  }
0xc: {  	[smem:$0x3FAC] =	sst s4  }
0xd: {  	[smem:$0x3FAD] =	sst s5  }
0xe: {  	[smem:$0x3FAE] =	sst s6  }
0xf: {  	[smem:$0x3FAF] =	sst s7  }
0x10: {  	[smem:$0x3FB0] =	sst s8  }
0x11: {  	[smem:$0x3FB1] =	sst s9;
	s0 =	simm.s32 @!p0 $0x0  }
0x12: {  	s1 =	sld [smem:$0x3F97];
	s0 =	simm.s32 @p0 $0x1  }
0x13: {  	[smem:$0x3FB2] =	sst s0;
	s0 =	simm.s32 @!p1 $0x0  }
0x14: {  	s2 =	sld [smem:$0x3F96];
	s0 =	simm.s32 @p1 $0x1  }
0x15: {  	[smem:$0x3FB3] =	sst s0;
	s0 =	simm.s32 @!p2 $0x0  }
0x16: {  	s3 =	sld [smem:$0x3FDB];
	s0 =	simm.s32 @p2 $0x1  }
0x17: {  	s4 =	simm.s32 $0x1BF5;
	[smem:$0x3FB5] =	sst s0  }
0x18: {  	s0 =	sld [smem:$0x3F98];
	_ =	swait.ge [sflag:s4], $0x0  }
0x19: {  	s7 =	sld [smem:$0x3F99]  }
0x1a: {  	s8 =	sadd.s32 $0xFFFFE003, lr  }
0x1b: {  	s9 =	sadd.s32 $0xFFFFFEF7, lr;
	s5 =	simm.s32 $0xFFFFFFFF;
	p2 =	slt.u32 s8, $0xFFFFF086  }
0x1c: {  	p1 =	slt.u32 s9, $0xF7A;
	s5 =	simm.s32 @!p2 $0x0  }
0x1d: {  	s5 =	simm.s32 @p1 $0x1;
	p0 =	seq.s32 s7, s2  }
0x1e: {  	s7 =	smul.u32 @!p0 $0xF7A, s2;
	p2 =	seq.s32 @!p0 s5, $0x0  }
0x1f: {  	s9 =	smul.u32 $0xF7A, s1;
	s8 =	simm.s32 @!p0 $0x1BF5;
	p2 =	por !p2, p0  }
0x20: {  	[sflag:s8] =	ssyncset.s32 @!p0 $0xFFFFF086;
	s6 =	sadd.s32 @!p0 s3, s7;
	s7 =	simm.s32 @!p0 $0x108  }
0x21: {  	s3 =	sadd.s32 s3, s9;
	s6 =	sadd.s32 @!p0 $0x88, s6;
	s7 =	simm.s32 @p2 $0x1082  }
0x22: {  	[simem:s7], [sflag:s8] =	dma.local @!p0 [hbm:s6], $0xF7A  }
0x23: {  	s9 =	sor.u32 $0xD0000000, s2;
	s6 =	simm.s32 $0x108;
	_ =	swait.ge @!p0 [sflag:s8], $0x0  }
0x24: {  	s3 =	sadd.s32 $0x88, s3;
	s6 =	simm.s32 @!p1 $0x1082;
	[sflag:s4] =	ssyncset.s32 $0xFFFFF086  }
0x25: {  	[simem:s6], [sflag:s4] =	dma.local [hbm:s3], $0xF7A  }
0x26: {  	[smem:$0x3F99] =	sst s1;
	(tag) =	ssettag s2;
	_ =	strace s9  }
0x27: {  	s1 =	sld [smem:$0x3FA9]  }
0x28: {  	s2 =	sld [smem:$0x3FAA]  }
0x29: {  	s4 =	sld [smem:$0x3FAC]  }
0x2a: {  	p0 =	seq.s32 s5, $0x0;
	s5 =	sld [smem:$0x3FAD]  }
0x2b: {  	s6 =	sld [smem:$0x3FAE]  }
0x2c: {  	s7 =	sld [smem:$0x3FAF]  }
0x2d: {  	s3 =	simm.s32 $0x108;
	s8 =	sld [smem:$0x3FB0]  }
0x2e: {  	s3 =	simm.s32 @!p0 $0x1082;
	s9 =	sld [smem:$0x3FB1]  }
0x2f: {  	lr =	sadd.s32 s0, s3;
	s0 =	sld [smem:$0x3FA8]  }
0x30: {  	s3 =	sld [smem:$0x3FAB]  }
0x31: {  	[smem:$0x3FB4] =	sst s10  }
0x32: {  	s10 =	sld [smem:$0x3FB2];
	_ =	sdelay $0x3  }
0x33: {  	p0 =	seq.s32 s10, $0x1;
	s10 =	sld [smem:$0x3FB4];
	_ =	sdelay $0x3  }
0x34: {  	[smem:$0x3FB4] =	sst s10  }
0x35: {  	s10 =	sld [smem:$0x3FB3];
	_ =	sdelay $0x3  }
0x36: {  	p1 =	seq.s32 s10, $0x1;
	s10 =	sld [smem:$0x3FB4];
	_ =	sdelay $0x3  }
0x37: {  	[smem:$0x3FB4] =	sst s10  }
0x38: {  	s10 =	sld [smem:$0x3FB5]  }
0x39: {  	_ = 	snop;
	(pc) =	sbr.ind lr, $3  }
0x3a: {  	_ = 	snop  }
0x3b: {  	_ = 	snop  }
0x3c: {  	p2 =	seq.s32 s10, $0x1;
	s10 =	sld [smem:$0x3FB4]  }
0x3d: {  	_ =	shalt  }
0x3e: {  	_ =	shalt  }
0x3f: {  	_ =	shalt  }
0x40: {  	_ =	shalt  }
0x41: {  	_ =	shalt  }
0x42: {  	_ =	shalt  }
0x43: {  	_ =	shalt  }
0x44: {  	_ =	shalt  }
0x45: {  	_ =	shalt  }
0x46: {  	_ =	shalt  }
0x47: {  	_ =	shalt  }
0x48: {  	_ =	shalt  }
0x49: {  	_ =	shalt  }
0x4a: {  	_ =	shalt  }
0x4b: {  	_ =	shalt  }
0x4c: {  	_ =	shalt  }
0x4d: {  	_ =	shalt  }
0x4e: {  	_ =	shalt  }
0x4f: {  	_ =	shalt  }
0x50: {  	_ =	shalt  }
0x51: {  	_ =	shalt  }
0x52: {  	_ =	shalt  }
0x53: {  	_ =	shalt  }
0x54: {  	_ =	shalt  }
0x55: {  	_ =	shalt  }
0x56: {  	_ =	shalt  }
0x57: {  	_ =	shalt  }
0x58: {  	_ =	shalt  }
0x59: {  	_ =	shalt  }
0x5a: {  	_ =	shalt  }
0x5b: {  	_ =	shalt  }
0x5c: {  	_ =	shalt  }
0x5d: {  	_ =	shalt  }
0x5e: {  	_ =	shalt  }
0x5f: {  	_ =	shalt  }
0x60: {  	_ =	shalt  }
0x61: {  	_ =	shalt  }
0x62: {  	_ =	shalt  }
0x63: {  	_ =	shalt  }
0x64: {  	_ =	shalt  }
0x65: {  	_ =	shalt  }
0x66: {  	_ =	shalt  }
0x67: {  	_ =	shalt  }
0x68: {  	_ =	shalt  }
0x69: {  	_ =	shalt  }
0x6a: {  	_ =	shalt  }
0x6b: {  	_ =	shalt  }
0x6c: {  	_ =	shalt  }
0x6d: {  	_ =	shalt  }
0x6e: {  	_ =	shalt  }
0x6f: {  	_ =	shalt  }
0x70: {  	_ =	shalt  }
0x71: {  	_ =	shalt  }
0x72: {  	_ =	shalt  }
0x73: {  	_ =	shalt  }
0x74: {  	_ =	shalt  }
0x75: {  	_ =	shalt  }
0x76: {  	_ =	shalt  }
0x77: {  	_ =	shalt  }
0x78: {  	_ =	shalt  }
0x79: {  	_ =	shalt  }
0x7a: {  	_ =	shalt  }
0x7b: {  	_ =	shalt  }
0x7c: {  	_ =	shalt  }
0x7d: {  	_ =	shalt  }
0x7e: {  	_ =	shalt  }
0x7f: {  	_ =	shalt  }
0x80: {  	_ =	shalt  }
0x81: {  	_ =	shalt  }
0x82: {  	_ =	shalt  }
0x83: {  	_ =	shalt  }
0x84: {  	_ =	shalt  }
0x85: {  	_ =	shalt  }
0x86: {  	_ =	shalt  }
0x87: {  	_ =	shalt  }
.Lfunc_end0:
.L_simem_size_0:
called_computation.3_lowered:
.L_overlay_start_0:
0x88: {  	s2 =	sld [smem:$0x3FD9]  }
0x89: {  	s3 =	sld [smem:$0x3FFE];
	_ =	sdelay $0x1  }
0x8a: {  	s1 =	srdreg.scid  }
0x8b: {  	s0 =	sand.u32 $0x1, s1  }
0x8c: {  	s17 =	sshll.u32 s0, $0xA;
	s2 =	sadd.s32 s3, s2  }
0x8d: {  	s2 =	sadd.s32 s2, s17  }
0x8e: {  	[smem:$0x3FC0] =	sst s2  }
0x8f: {  	_ = 	snop  }
0x90: {  	s2 =	sld [smem:$0x3FD0];
	(tm) =	ssettm $0x1  }
0x91: {  	s18 =	sld [smem:$0x3FFB];
	_ =	sdelay $0x3  }
0x92: {  	_ =	strace s18  }
0x93: {  	s3 =	sld [smem:$0x3FFC];
	_ =	sdelay $0x3  }
0x94: {  	_ =	strace s3  }
0x95: {  	s3 =	sld [smem:$0x3FFD];
	_ =	sdelay $0x3  }
0x96: {  	_ =	strace s3  }
0x97: {  	_ =	strace $0x8FFFFFFF  }
0x98: {  	s19 =	sld [smem:$0x3FDB];
	_ =	sdelay $0x1  }
0x99: {  	s4 =	simm.s32 $_scs_section_size  }
0x9a: {  	s5 =	simm.s32 $_size__tile_overlayer_lowered;
	s6 =	simm.s32 $_tile_overlayer_lowered  }
0x9b: {  	s22 =	simm.s32 $0x1BFF;
	s21 =	sshll.u32 s6, $0x1;
	s3 =	sadd.s32 s4, s19  }
0x9c: {  	s7 =	simm.s32 $0x0;
	s20 =	sshll.u32 s5, $0x1;
	s5 =	sadd.s32 s21, s3  }
0x9d: {  	[timem:s7], [sflag:s22] =	dma.local [hbm:s5], s20  }
0x9e: {  	_ =	swait.ge [sflag:s22], s20  }
0x9f: {  	s4 =	ssub.s32 $0x0, s20;
	[sflag:s22] =	ssyncset.done $0x0  }
0xa0: {  	[sflag:s22] =	ssyncadd.s32 s4;
	_ =	sdelay $0x1  }
0xa1: {  	s23 =	simm.s32 $0x1B8B  }
0xa2: {  	_ =	swait.ge [sflag:s23], $0x1  }
0xa3: {  	[sflag:s23] =	ssyncset.done $0x0  }
0xa4: {  	s25 =	simm.s32 $0x1B8E;
	s24 =	sld [smem:$0x3FFE];
	[sflag:s23] =	ssyncadd.s32 $0xFFFFFFFF  }
0xa5: {  	s26 =	simm.s32 $execute0_lowered;
	[smem:$0x3FD2] =	sst s25  }
0xa6: {  	s5 =	sshll.u32 s26, $0x1;
	_ =	strace $0x8000004F;
	[dreg:$0x1] =	wrdreg $0xFFFFFFFF  }
0xa7: {  	s28 =	simm.s32 $_size_execute0_lowered;
	s3 =	sadd.s32 s3, s5;
	[dreg:$0x0] =	wrdreg $0x0  }
0xa8: {  	s5 =	sshll.u32 s28, $0x1;
	[dreg:$0x2] =	wrdreg s3  }
0xa9: {  	[dreg:$0x3] =	wrdreg s5  }
0xaa: {  	[dreg:$0x4] =	wrdreg $0xC0  }
0xab: {  	_ =	task [dreg:s7], $0x5FFFF  }
0xac: {  	[dreg:$0x1] =	wrdreg $0xFFFFFFFF  }
0xad: {  	[dreg:$0x0] =	wrdreg $0x60  }
0xae: {  	[dreg:$0x2] =	wrdreg s2  }
0xaf: {  	[dreg:$0x3] =	wrdreg s24  }
0xb0: {  	[dreg:$0x4] =	wrdreg $0x0  }
0xb1: {  	[dreg:$0x5] =	wrdreg $0x9  }
0xb2: {  	_ =	task.clear_ibuf [dreg:s7], $0x6FFFF;
	_ =	strace $0x9000004F  }
0xb3: {  	s29 =	simm.s32 $0x9;
	_ =	strace $0x80000051  }
0xb4: {  	_ =	swait.ge [sflag:s29], $0x1  }
0xb5: {  	[sflag:s29] =	ssyncadd.s32 $0xFFFFFFFF  }
0xb6: {  	_ =	strace $0x90000051  }
0xb7: {  	_ =	sfence  }
0xb8: {  	s30 =	sld [smem:$0x0];
	_ =	sdelay $0x2  }
0xb9: {  	s31 =	sshll.u32 s1, $0xD;
	s1 =	sshrl.u32 s1, $0x2  }
0xba: {  	s3 =	sand.u32 $0x4000, s31;
	s1 =	sadd.s32 s1, s30  }
0xbb: {  	s0 =	sor.u32 s3, s0;
	s1 =	sshll.u32 s1, $0x11  }
0xbc: {  	s0 =	sor.u32 s1, s0  }
0xbd: {  	s0 =	sadd.s32 $0x8F2B, s0  }
0xbe: {  	[sflag:s0] =	ssyncadd.remote.s32 $0x1  }
0xbf: {  	_ =	sfence.sel $0xFFFF  }
0xc0: {  	[dreg:$0x0] =	wrdreg $0xFFFFFFFF;
	(pc) =	sbr.abs _section_cstart, $3  }
0xc1: {  	[dreg:$0x1] =	wrdreg $0xFFFFFFFF  }
0xc2: {  	_ =	task.clear_ibuf [dreg:s7], $0x2FFFF;
	_ =	strace $0x9FFFFFFF  }
0xc3: {  	(tm) =	ssettm $0x7FFFFFFF  }
tec
execute0_lowered:
.L_overlay_start_1:
0x0: {  	(tag) =	ssettag $0x1  }
0x1: {  	s1 =	rddreg [dreg:$0x0]  }
0x2: {  	s5 =	rddreg [dreg:$0x1]  }
0x3: {  	s3 =	rddreg [dreg:$0x2]  }
0x4: {  	s0 =	srdreg.scid;
	s2 =	rddreg [dreg:$0x3];
	s4 =	simm.s32 $0x0  }
0x5: {  	s13 =	simm.s32 $0x5;
	s14 =	simm.s32 $0x14D00;
	s15 =	simm.s32 $0x80  }
0x6: {  	s16 =	simm.s32 $0x16100;
	s17 =	simm.s32 $0x13980;
	s6 =	sand.u32 $0x1, s0  }
0x7: {  	s18 =	simm.s32 $0x1A100;
	s0 =	stileid.u32;
	s7 =	smul.u32 $0x280, s6  }
0x8: {  	s19 =	simm.s32 $0x1;
	s20 =	simm.s32 $0x2;
	s8 =	smul.u32 $0x28, s0  }
0x9: {  	s21 =	simm.s32 $0x3;
	s22 =	simm.s32 $0x13A00;
	s29 =	smul.u32 $0x138800, s6  }
0xa: {  	s23 =	simm.s32 $0x14D80;
	s24 =	simm.s32 $0x4;
	s9 =	smul.u32 $0x3E800, s0  }
0xb: {  	s25 =	simm.s32 $0x0;
	[smem:$0x7FF] =	sst s4;
	s30 =	smul.u32 $0xFA000, s0  }
0xc: {  	_ =	strace $0x80000050;
	s6 =	ssub.s32 $0x2, s6;
	s11 =	smul.u32 $0x7D00, s0  }
0xd: {  	p0 =	sgt.u32 s0, $0x4;
	s10 =	sshrl.u32 s6, $0x1;
	s7 =	sadd.s32 s8, s7  }
0xe: {  	s8 =	sadd.s32 s9, s29;
	s10 =	ssub.s32 s6, s10;
	s31 =	sshrl.u32 s30, $0x2  }
.Ltmp0:
0xf: {  	s7 =	sshll.u32 s7, $0x4;
	s8 =	sshrl.u32 s8, $0x3;
	(pc) =	sbr.rel .LBB2_1-.Ltmp0, $4  }
0x10: {  	s12 =	sadd.s32 s31, s3;
	s9 =	smax.u32 s10, $0x1;
	s7 =	sadd.s32 s7, s5  }
0x11: {  	s8 =	sadd.s32 s8, s5;
	s5 =	sadd.s32 s1, s11;
	s11 =	sshll.u32 @!p0 s0, $0x6  }
0x12: {  	s6 =	sadd.s32 $0x6E00, s7;
	s7 =	sadd.s32 $0x1E00, s7;
	s8 =	sadd.s32 $0xBE00, s8  }
0x13: {  	s10 =	sor.u32 @!p0 $0x1C05, s11;
	s11 =	sshrl.u32 @!p0 s12, $0x3;
	s12 =	simm.s32 $0x13900  }
.LBB2_4:
0x14: {  	[spmem:s3] =	stream.indirect.scatter.add.f32 [tilespmem:s18], [sflag:$0x4], $0x80, s29, s15, $0xb8;
	[tilespmem:$0x1E100] =	vst v63  }
0x15: {  	_ =	swait.ge [sflag:s24], $0x4000  }
0x16: {  	s25 =	sadd.s32 $0x1, s25;
	[sflag:s24] =	ssyncset.done $0x0  }
0x17: {  	p1 =	sne.s32 s25, s9;
	[sflag:s24] =	ssyncadd.s32 $0xFFFFC000  }
.Ltmp1:
0x18: {  	s26 =	simm.s32 @!p0 $0x5;
	[bflag:$0x0] =	sbarrier.arrive $0xFFFF;
	(pc) =	sbr.rel @!p1 .LBB2_5-.Ltmp1, $4  }
0x19: {  	[hbm:s8], [sflag:s10] =	dma.local @!p0 [spmem:s11], $0x7D00  }
0x1a: {  	_ =	swait.ge @!p0 [sflag:s26], $0x7D00  }
0x1b: {  	[sflag:s26] =	ssyncset.done @!p0 $0x0  }
0x1c: {  	[sflag:s26] =	ssyncadd.s32 @!p0 $0xFFFF8300  }
.LBB2_1:
0x1d: {  	[spmem:s11], [sflag:s10] =	dma.local @!p0 [hbm:s5], $0x7D00  }
0x1e: {  	s26 =	simm.s32 @!p0 $0x5  }
0x1f: {  	_ =	swait.ge @!p0 [sflag:s26], $0x7D00  }
0x20: {  	[sflag:s26] =	ssyncset.done @!p0 $0x0  }
0x21: {  	[sflag:s26] =	ssyncadd.s32 @!p0 $0xFFFF8300  }
0x22: {  	[tilespmem:s12], [sflag:$0x5] =	stream.linear.gather [hbm4b:s6+s4], $0x1400, $0x38;
	[tilespmem:$0x1E100] =	vst v63  }
0x23: {  	_ =	swait.ge [sflag:s13], $0x1400  }
0x24: {  	[sflag:s13] =	ssyncset.done $0x0  }
0x25: {  	[sflag:s13] =	ssyncadd.s32 $0xFFFFEC00  }
0x26: {  	[tilespmem:s14], [sflag:$0x5] =	stream.linear.gather [hbm4b:s7+s4], $0x1400, $0x38;
	[tilespmem:$0x1E100] =	vst v63  }
0x27: {  	_ =	swait.ge [sflag:s13], $0x1400  }
0x28: {  	[sflag:s13] =	ssyncset.done $0x0  }
0x29: {  	[sflag:s13] =	ssyncadd.s32 $0xFFFFEC00  }
0x2a: {  	[bflag:$0x0] =	sbarrier.arrive $0xFFFF  }
0x2b: {  	[tilespmem:s16], [sflag:$0x1] =	stream.indirect.gather [hbm4b:s1+s15], $0x80, s12, s15, $0xb8;
	[tilespmem:$0x1E100] =	vst v63  }
0x2c: {  	_ = 	snop  }
0x2d: {  	[tilespmem:s18], [sflag:$0x2] =	stream.indirect.gather [hbm4b:s1+s15], $0x80, s17, s15, $0xb8;
	[tilespmem:$0x1E100] =	vst v63  }
0x2e: {  	_ =	swait.ge [sflag:s19], $0x4000  }
0x2f: {  	[sflag:s19] =	ssyncset.done $0x0  }
0x30: {  	[sflag:s19] =	ssyncadd.s32 $0xFFFFC000  }
0x31: {  	[spmem:s3] =	stream.indirect.scatter.add.f32 [tilespmem:s16], [sflag:$0x3], $0x80, s14, s15, $0xb8;
	[tilespmem:$0x1E100] =	vst v63  }
0x32: {  	_ =	swait.ge [sflag:s20], $0x4000  }
0x33: {  	[sflag:s20] =	ssyncset.done $0x0  }
0x34: {  	[sflag:s20] =	ssyncadd.s32 $0xFFFFC000  }
0x35: {  	_ =	swait.ge [sflag:s21], $0x4000  }
0x36: {  	[sflag:s21] =	ssyncset.done $0x0  }
0x37: {  	[sflag:s21] =	ssyncadd.s32 $0xFFFFC000  }
0x38: {  	[tilespmem:s16], [sflag:$0x1] =	stream.indirect.gather [hbm4b:s1+s15], $0x80, s22, s15, $0xb8;
	[tilespmem:$0x1E100] =	vst v63  }
0x39: {  	s26 =	simm.s32 $0xFFFFB800  }
0x3a: {  	[spmem:s3] =	stream.indirect.scatter.add.f32 [tilespmem:s18], [sflag:$0x4], $0x80, s23, s15, $0xb8;
	[tilespmem:$0x1E100] =	vst v63  }
.LBB2_2:
0x3b: {  	_ =	swait.ge [sflag:s24], $0x4000  }
0x3c: {  	s28 =	sshra.s32 s26, $0x2;
	[sflag:s24] =	ssyncset.done $0x0  }
0x3d: {  	s29 =	sadd.s32 $0x14C80, s28;
	[sflag:s24] =	ssyncadd.s32 $0xFFFFC000  }
0x3e: {  	[tilespmem:s18], [sflag:$0x2] =	stream.indirect.gather [hbm4b:s1+s15], $0x80, s29, s15, $0xb8;
	[tilespmem:$0x1E100] =	vst v63  }
0x3f: {  	_ =	swait.ge [sflag:s19], $0x4000  }
0x40: {  	[sflag:s19] =	ssyncset.done $0x0  }
0x41: {  	s29 =	sadd.s32 $0x16000, s28;
	[sflag:s19] =	ssyncadd.s32 $0xFFFFC000  }
0x42: {  	[spmem:s3] =	stream.indirect.scatter.add.f32 [tilespmem:s16], [sflag:$0x3], $0x80, s29, s15, $0xb8;
	[tilespmem:$0x1E100] =	vst v63  }
0x43: {  	p1 =	seq.s32 s26, $0x0;
	_ =	swait.ge [sflag:s20], $0x4000  }
.Ltmp2:
0x44: {  	[sflag:s20] =	ssyncset.done $0x0;
	(pc) =	sbr.rel @p1 .LBB2_4-.Ltmp2, $4  }
0x45: {  	[sflag:s20] =	ssyncadd.s32 $0xFFFFC000  }
0x46: {  	_ =	swait.ge [sflag:s21], $0x4000  }
0x47: {  	[sflag:s21] =	ssyncset.done $0x0  }
0x48: {  	s29 =	sadd.s32 $0x16080, s28;
	[sflag:s21] =	ssyncadd.s32 $0xFFFFC000  }
.Ltmp3:
0x49: {  	(pc) =	sbr.rel .LBB2_2-.Ltmp3, $4  }
0x4a: {  	s28 =	sadd.s32 $0x14D00, s28  }
0x4b: {  	[tilespmem:s16], [sflag:$0x1] =	stream.indirect.gather [hbm4b:s1+s15], $0x80, s28, s15, $0xb8;
	[tilespmem:$0x1E100] =	vst v63  }
0x4c: {  	s26 =	sadd.s32 $0x400, s26  }
0x4d: {  	[spmem:s3] =	stream.indirect.scatter.add.f32 [tilespmem:s18], [sflag:$0x4], $0x80, s29, s15, $0xb8;
	[tilespmem:$0x1E100] =	vst v63  }
.LBB2_5:
0x4e: {  	_ =	sfence.sel $0x180000  }
0x4f: {  	[bflag:$0x0] =	sbarrier.arrive $0xFFFF  }
0x50: {  	p0 =	sne.s32 s0, $0x0;
	_ =	strace $0x90000050  }
0x51: {  	s0 =	sadd.s32 @!p0 $0x100000, s2;
	[bflag:$0x2] =	sbarrier.arrive $0xFFFF  }
0x52: {  	[sflag:s0] =	ssyncadd.tile.s32 @!p0 $0x1;
	_ =	shalt  }
.Lfunc_end2:
_tile_overlayer_lowered:
.L_overlay_start_2:
0x53: {  	(tag) =	ssettag $0x2  }
0x54: {  	s0 =	rddreg [dreg:$0x0];
	s2 =	stileid.u32  }
0x55: {  	s1 =	rddreg [dreg:$0x1];
	p0 =	sne.s32 s2, $0x0  }
0x56: {  	s3 =	rddreg [dreg:$0x2];
	[bflag:$0x3] =	sbarrier.arrive $0xFFFF;
	s2 =	simm.s32 @!p0 $0x1C05  }
0x57: {  	[timem:s3], [sflag:s2] =	dma.local @!p0 [hbm:s0], s1  }
0x58: {  	s0 =	simm.s32 @!p0 $0x5  }
0x59: {  	_ =	swait.ge @!p0 [sflag:s0], s1  }
0x5a: {  	s1 =	ssub.s32 @!p0 $0x0, s1;
	[sflag:s0] =	ssyncset.done @!p0 $0x0  }
0x5b: {  	[sflag:s0] =	ssyncadd.s32 @!p0 s1  }
0x5c: {  	[bflag:$0x3] =	sbarrier.arrive $0xFFFF  }
0x5d: {  	_ =	shalt  }

</sc_bundles>
